<compile_context>
chip_gen: v7x
topology: tpu7x:2x2x1
jax: 0.10.2.dev20260603
libtpu: 0.0.44.dev20260713+nightly
codegen_flags: <defaults>
</compile_context>

<pallas_src>
import functools

import jax
import jax.numpy as jnp
from jax import lax
from jax.experimental import pallas as pl
from jax.experimental.pallas import tpu as pltpu
from jax.experimental.pallas import tpu_sc as plsc

N_PTS = 100000
N_PAD = 100352
NV = 6890
NV_PAD = 6912
KNN_VT = 1024
KNN_VPAD = 7168
KNN_BN = 1792
MLP_BN = 1792
D_P = 128
D_M = 64
D_T = 128
BIG = 3.0e38
PADV = 1.0e38

N_SEG = N_PAD // 2
N_SPLIT = 2
_SC_WORKERS = 32
_SC_CHUNK = 392


def _prep_body(sw_ref, bpf_ref, wbp1_ref, vtp_ref, a_ref, v8_ref, v2_ref):
    vb = jnp.dot(sw_ref[...], bpf_ref[...], preferred_element_type=jnp.float32)
    a_ref[...] = jnp.dot(vb, wbp1_ref[...], preferred_element_type=jnp.float32)
    vt = vtp_ref[0:3, :]
    pm = vtp_ref[3:4, :]
    v2_ref[...] = jnp.sum(vt * vt, axis=0, keepdims=True) + pm * PADV
    v8_ref[...] = jnp.concatenate(
        [-2.0 * vt, jnp.zeros((5, KNN_VPAD), jnp.float32)], axis=0)


def _knn_body(x_ref, v8_ref, v2_ref, o_ref):
    x = x_ref[...]
    liota = lax.broadcasted_iota(
        jnp.int32, (KNN_BN, KNN_VT), 1).astype(jnp.float32)
    best_d = jnp.full((KNN_BN, 1), BIG, jnp.float32)
    best_i = jnp.full((KNN_BN, 1), 0.0, jnp.float32)
    for t in range(KNN_VPAD // KNN_VT):
        sl = pl.ds(t * KNN_VT, KNN_VT)
        dotm2 = jnp.dot(x, v8_ref[:, sl], preferred_element_type=jnp.float32)
        d2 = dotm2 + v2_ref[:, sl]
        tmin = jnp.min(d2, axis=1, keepdims=True)
        targ = jnp.min(jnp.where(d2 <= tmin, liota, BIG),
                       axis=1, keepdims=True)
        upd = tmin < best_d
        best_i = jnp.where(upd, targ + float(t * KNN_VT), best_i)
        best_d = jnp.where(upd, tmin, best_d)
    o_ref[...] = best_i.astype(jnp.int32)


def _sc_gather(table, idx, n_rows):
    mesh = plsc.VectorSubcoreMesh(core_axis_name="c", subcore_axis_name="s")
    bpw = n_rows // _SC_WORKERS
    n_chunks = bpw // _SC_CHUNK

    @functools.partial(
        pl.kernel, mesh=mesh,
        out_type=jax.ShapeDtypeStruct((n_rows, D_T), jnp.float32),
        scratch_types=[
            pltpu.VMEM((_SC_CHUNK,), jnp.int32),
            pltpu.VMEM((_SC_CHUNK,), jnp.int32),
            pltpu.VMEM((_SC_CHUNK, D_T), jnp.float32),
            pltpu.VMEM((_SC_CHUNK, D_T), jnp.float32),
            pltpu.SemaphoreType.DMA,
            pltpu.SemaphoreType.DMA,
        ],
    )
    def gk(table_hbm, idx_hbm, out_hbm, idx0, idx1, rows0, rows1, sem0, sem1):
        wid = lax.axis_index("s") * 2 + lax.axis_index("c")
        base = wid * bpw
        idx_b, rows_b, sem_b = (idx0, idx1), (rows0, rows1), (sem0, sem1)

        def start(c):
            b = c % 2
            off = base + c * _SC_CHUNK
            pltpu.sync_copy(idx_hbm.at[pl.ds(off, _SC_CHUNK)], idx_b[b])
            return pltpu.async_copy(table_hbm.at[idx_b[b]], rows_b[b], sem_b[b])

        pending = start(0)
        for c in range(n_chunks):
            nxt = start(c + 1) if c + 1 < n_chunks else None
            pending.wait()
            pltpu.sync_copy(rows_b[c % 2],
                            out_hbm.at[pl.ds(base + c * _SC_CHUNK, _SC_CHUNK)])
            pending = nxt

    return gk(table, idx)


def _mlp_body(x_ref, gjf_ref, ag_ref, wbp2_ref, bbp_ref, mn_ref, mx_ref,
              w1a_ref, w1b_ref, bc1_ref, wc2_ref, bc2_ref, wc3_ref, bc3_ref,
              wh_ref, bh_ref, o_ref):
    x = x_ref[...]
    xn = 2.0 * (x - mn_ref[...]) / (mx_ref[...] - mn_ref[...]) - 1.0
    z = ag_ref[...] + jnp.dot(gjf_ref[...], wbp2_ref[...],
                              preferred_element_type=jnp.float32) + bbp_ref[...]
    gf = jax.nn.gelu(z)
    w1a = w1a_ref[...]
    h = (xn[:, 0:1] * w1a[0:1, :] + xn[:, 1:2] * w1a[1:2, :]
         + xn[:, 2:3] * w1a[2:3, :])
    h = h + jnp.dot(gf, w1b_ref[...], preferred_element_type=jnp.float32)
    h = jnp.maximum(h + bc1_ref[...], 0.0)
    h = jnp.maximum(jnp.dot(h, wc2_ref[...], preferred_element_type=jnp.float32)
                    + bc2_ref[...], 0.0)
    h = jnp.dot(h, wc3_ref[...], preferred_element_type=jnp.float32) + bc3_ref[...]
    rt = jnp.dot(h, wh_ref[...], preferred_element_type=jnp.float32) + bh_ref[...]
    lane = lax.broadcasted_iota(jnp.int32, (MLP_BN, 8), 1)
    rot_m = lane < 4
    nrm = jnp.sqrt(jnp.sum(jnp.where(rot_m, rt * rt, 0.0), axis=1, keepdims=True))
    rt_n = rt / jnp.maximum(nrm, 1e-12)
    o_ref[...] = jnp.where(rot_m, rt_n, rt)


def kernel(body_pose_feature, garment_joint_feature, garment_joint_xyz,
           smpl_cano_verts, skinning_weights, aabb_min, aabb_max,
           W_bp, b_bp, Wc1, bc1, Wc2, bc2, Wc3, bc3,
           W_rot, b_rot, W_trans, b_trans):
    f32 = jnp.float32
    x8 = jnp.pad(garment_joint_xyz, ((0, N_PAD - N_PTS), (0, 5)))
    vtp = jnp.pad(smpl_cano_verts.T, ((0, 1), (0, KNN_VPAD - NV)))
    vtp = vtp.at[3, NV:].set(1.0)
    swp = jnp.pad(skinning_weights, ((0, NV_PAD - NV), (0, 0)))

    table, v8, v2 = pl.pallas_call(
        _prep_body,
        out_shape=(jax.ShapeDtypeStruct((NV_PAD, D_T), f32),
                   jax.ShapeDtypeStruct((8, KNN_VPAD), f32),
                   jax.ShapeDtypeStruct((1, KNN_VPAD), f32)),
    )(swp, body_pose_feature, jnp.pad(W_bp[:D_P], ((0, 0), (0, D_T - D_M))), vtp)

    def knn(seg):
        blk0 = seg * (N_SEG // KNN_BN)
        return pl.pallas_call(
            _knn_body,
            grid=(N_SEG // KNN_BN,),
            in_specs=[
                pl.BlockSpec((KNN_BN, 8), lambda i: (i + blk0, 0)),
                pl.BlockSpec((8, KNN_VPAD), lambda i: (0, 0)),
                pl.BlockSpec((1, KNN_VPAD), lambda i: (0, 0)),
            ],
            out_specs=pl.BlockSpec((KNN_BN, 1), lambda i: (i, 0)),
            out_shape=jax.ShapeDtypeStruct((N_SEG, 1), jnp.int32),
            compiler_params=pltpu.CompilerParams(
                dimension_semantics=("parallel",)),
        )(x8, v8, v2)

    pidx = [knn(0)]
    ags = []
    for s in range(N_SPLIT):
        ags.append(_sc_gather(table, pidx[s].reshape(-1), N_SEG))
        if s + 1 < N_SPLIT:
            pidx.append(knn(s + 1))

    mn8 = jnp.pad(aabb_min.reshape(1, 3), ((0, 0), (0, 5)))
    mx8 = jnp.pad(aabb_max.reshape(1, 3), ((0, 0), (0, 5)), constant_values=1.0)
    w1a = jnp.pad(Wc1[:3], ((0, 5), (0, 0)))
    w1b = jnp.pad(Wc1[3:], ((0, D_T - D_M), (0, 0)))
    wh = jnp.pad(jnp.concatenate([W_rot, W_trans], axis=1), ((0, 0), (0, 1)))
    bh = jnp.pad(jnp.concatenate([b_rot, b_trans]).reshape(1, 7), ((0, 0), (0, 1)))

    full = lambda r, c: pl.BlockSpec((r, c), lambda i: (0, 0))
    wbp2p = jnp.pad(W_bp[D_P:], ((0, 0), (0, D_T - D_M)))
    bbpp = jnp.pad(b_bp.reshape(1, D_M), ((0, 0), (0, D_T - D_M)))

    def mlp(seg, agh, n_out):
        blk0 = seg * (N_SEG // MLP_BN)
        return pl.pallas_call(
            _mlp_body,
            grid=(pl.cdiv(n_out, MLP_BN),),
            in_specs=[
                pl.BlockSpec((MLP_BN, 8), lambda i: (i + blk0, 0)),
                pl.BlockSpec((MLP_BN, D_P), lambda i: (i + blk0, 0)),
                pl.BlockSpec((MLP_BN, D_T), lambda i: (i, 0)),
                full(D_P, D_T),
                full(1, D_T),
                full(1, 8), full(1, 8),
                full(8, 128), full(D_T, 128), full(1, 128),
                full(128, 128), full(1, 128),
                full(128, D_M), full(1, D_M),
                full(D_M, 8), full(1, 8),
            ],
            out_specs=pl.BlockSpec((MLP_BN, 8), lambda i: (i, 0)),
            out_shape=jax.ShapeDtypeStruct((n_out, 8), f32),
            compiler_params=pltpu.CompilerParams(
                dimension_semantics=("parallel",)),
        )(x8, garment_joint_feature, agh, wbp2p, bbpp, mn8, mx8,
          w1a, w1b, bc1.reshape(1, 128), Wc2, bc2.reshape(1, 128),
          Wc3, bc3.reshape(1, D_M), wh, bh)

    outs = [mlp(s, ags[s], min(N_SEG, N_PTS - s * N_SEG))
            for s in range(N_SPLIT)]
    out8 = jnp.concatenate(outs, axis=0)

    rot = out8[:, 0:4]
    trans = out8[:, 4:7]
    return (rot, trans)

# --- scband reference (transcript-rebuilt; emitter-appended) ---
"""Pipeline reference for scband-garment-pose-decoder-12463995093361 (READ-ONLY COPY).

The authoritative reference and input builder live on the scoring server;
editing this copy changes nothing except your own understanding.
"""

import jax, jax.numpy as jnp
import numpy as np

N = 100000
V = 6890
J = 24
DP = 128
DL = 128
M = 64
H = 128
CHUNK = 2000


def _knn_idx(xyz, verts):
    # brute-force 1-NN (knn_points with K=1), chunked to bound memory
    v2 = jnp.sum(verts * verts, axis=1)

    def chunk_fn(xc):
        d2 = jnp.sum(xc * xc, axis=1, keepdims=True) - 2.0 * (xc @ verts.T) + v2
        return jnp.argmin(d2, axis=1)

    xcs = xyz.reshape(-1, CHUNK, 3)
    idx = jax.lax.map(chunk_fn, xcs)
    return idx.reshape(-1)


def setup_inputs(seed: int = 0) -> dict:
    key = jax.random.key(seed)
    ks = jax.random.split(key, 16)
    s = 0.05
    inp = {}
    inp["body_pose_feature"] = jax.random.normal(ks[0], (J, DP), jnp.float32)
    inp["garment_joint_feature"] = jax.random.normal(ks[1], (N, DL), jnp.float32)
    inp["garment_joint_xyz"] = jax.random.normal(ks[2], (N, 3), jnp.float32)
    inp["smpl_cano_verts"] = jax.random.normal(ks[3], (V, 3), jnp.float32)
    sw = jax.random.uniform(ks[4], (V, J), jnp.float32)
    inp["skinning_weights"] = sw / jnp.sum(sw, axis=1, keepdims=True)
    inp["aabb_min"] = jnp.zeros((3,), jnp.float32)
    inp["aabb_max"] = jnp.ones((3,), jnp.float32)
    # learned parameters
    inp["W_bp"] = jax.random.normal(ks[5], (DP + DL, M), jnp.float32) * s
    inp["b_bp"] = jnp.zeros((M,), jnp.float32)
    inp["Wc1"] = jax.random.normal(ks[6], (3 + M, H), jnp.float32) * s
    inp["bc1"] = jnp.zeros((H,), jnp.float32)
    inp["Wc2"] = jax.random.normal(ks[7], (H, H), jnp.float32) * s
    inp["bc2"] = jnp.zeros((H,), jnp.float32)
    inp["Wc3"] = jax.random.normal(ks[8], (H, M), jnp.float32) * s
    inp["bc3"] = jnp.zeros((M,), jnp.float32)
    inp["W_rot"] = jax.random.normal(ks[9], (M, 4), jnp.float32) * s
    inp["b_rot"] = jnp.zeros((4,), jnp.float32)
    inp["W_trans"] = jax.random.normal(ks[10], (M, 3), jnp.float32) * s
    inp["b_trans"] = jnp.zeros((3,), jnp.float32)
    return inp


def reference(body_pose_feature, garment_joint_feature, garment_joint_xyz, smpl_cano_verts,
              skinning_weights, aabb_min, aabb_max,
              W_bp, b_bp, Wc1, bc1, Wc2, bc2, Wc3, bc3, W_rot, b_rot, W_trans, b_trans):
    # query_lbs_weights: 1-NN against SMPL canonical verts, gather skinning weights
    p_idx = _knn_idx(garment_joint_xyz, smpl_cano_verts)
    pts_W = jnp.take(skinning_weights, p_idx, axis=0)          # [N, J]
    garment_body_feature = pts_W @ body_pose_feature            # [N, DP]
    garment_feature = jnp.concatenate([garment_body_feature, garment_joint_feature], axis=-1)
    garment_feature = jax.nn.gelu(garment_feature @ W_bp + b_bp)  # body_pose_proj (Linear+GELU)
    # aabb.normalize(xyz, sym=True)
    xyz_norm = 2.0 * (garment_joint_xyz - aabb_min) / (aabb_max - aabb_min) - 1.0
    # VanillaCondMLP(d_in=3, d_cond=M, d_out=M): concat cond at input, 2 hidden ReLU layers
    h = jnp.concatenate([xyz_norm, garment_feature], axis=-1)
    h = jax.nn.relu(h @ Wc1 + bc1)
    h = jax.nn.relu(h @ Wc2 + bc2)
    h = h @ Wc3 + bc3
    rot = h @ W_rot + b_rot
    rot = rot / jnp.maximum(jnp.linalg.norm(rot, axis=-1, keepdims=True), 1e-12)  # F.normalize
    trans = h @ W_trans + b_trans
    return (rot, trans)

if __name__ == "__main__":
    import jax
    _d = setup_inputs()
    print(jax.jit(kernel)(*tuple(_d.values())))

</pallas_src>

<mosaic_0001>
#map = affine_map<(d0, d1) -> (0, 0)>
#map1 = affine_map<(d0, d1) -> (0)>
module attributes {stable_mosaic.version = 14 : i64} {
  func.func @gk(%arg0: i32, %arg1: i32, %arg2: memref<6912x128xf32, #tpu.memory_space<hbm>>, %arg3: memref<50176xi32, #tpu.memory_space<hbm>>, %arg4: memref<50176x128xf32, #tpu.memory_space<hbm>>, %arg5: memref<392xi32, #tpu.memory_space<vmem>>, %arg6: memref<392xi32, #tpu.memory_space<vmem>>, %arg7: memref<392x128xf32, #tpu.memory_space<vmem>>, %arg8: memref<392x128xf32, #tpu.memory_space<vmem>>, %arg9: memref<!tpu.dma_semaphore, #tpu.memory_space<semaphore_mem>>, %arg10: memref<!tpu.dma_semaphore, #tpu.memory_space<semaphore_mem>>) attributes {dimension_semantics = [#tpu.dimension_semantics<core_parallel>, #tpu.dimension_semantics<subcore_parallel>], iteration_bounds = array<i64: 2, 16>, scalar_prefetch = 0 : i64, scratch_operands = 6 : i64, tpu.core_type = #tpu.core_type<sc_vector_subcore>, window_params = [{transform_indices = #map}, {transform_indices = #map1}, {transform_indices = #map}]} {
    %mul3A = arith.constant 2 : i32
    %mul3A_0 = arith.muli %arg1, %mul3A : i32
    %add3A = arith.addi %mul3A_0, %arg0 : i32
    %mul3A_1 = arith.constant 1568 : i32
    %mul3A_2 = arith.muli %add3A, %mul3A_1 : i32
    %add3A_3 = arith.constant 0 : i32
    %add3A_4 = arith.addi %mul3A_2, %add3A_3 : i32
    "tpu.region"() ({
      %run_scoped3A = tpu.sem_alloc : memref<!tpu.dma_semaphore, #tpu.memory_space<semaphore_mem>>
      %dma_start3A_41 = tpu.memref_slice %arg3[%add3A_4] : memref<50176xi32, #tpu.memory_space<hbm>> -> memref<392xi32, #tpu.memory_space<hbm>>
      %dma_start3A_42 = tpu.memref_slice %arg3[%add3A_4] : memref<50176xi32, #tpu.memory_space<hbm>> -> memref<392xi32, #tpu.memory_space<hbm>>
      tpu.enqueue_dma source(%dma_start3A_42 : memref<392xi32, #tpu.memory_space<hbm>>) target(%arg5 : memref<392xi32, #tpu.memory_space<vmem>>) target_semaphore(%run_scoped3A : memref<!tpu.dma_semaphore, #tpu.memory_space<semaphore_mem>>)
      %dma_wait3A_43 = tpu.memref_slice %arg3[%add3A_4] : memref<50176xi32, #tpu.memory_space<hbm>> -> memref<392xi32, #tpu.memory_space<hbm>>
      %dma_wait3A_44 = tpu.memref_slice %arg3[%add3A_4] : memref<50176xi32, #tpu.memory_space<hbm>> -> memref<392xi32, #tpu.memory_space<hbm>>
      tpu.wait_dma2 semaphore(%run_scoped3A : memref<!tpu.dma_semaphore, #tpu.memory_space<semaphore_mem>>) src(%dma_wait3A_44 : memref<392xi32, #tpu.memory_space<hbm>>) dst(%arg5 : memref<392xi32, #tpu.memory_space<vmem>>)
      tpu.yield
    }) : () -> ()
    %dma_start3A = arith.constant 0 : i32
    %dma_start3A_5 = arith.constant 0 : i32
    %dma_start3A_6 = tpu.memref_slice %arg2[%dma_start3A, %dma_start3A_5] : memref<6912x128xf32, #tpu.memory_space<hbm>> -> memref<6912x128xf32, #tpu.memory_space<hbm>>
    tpu.enqueue_indirect_dma source(%dma_start3A_6 : memref<6912x128xf32, #tpu.memory_space<hbm>>) target(%arg7 : memref<392x128xf32, #tpu.memory_space<vmem>>) offsets(%arg5 : memref<392xi32, #tpu.memory_space<vmem>>) semaphore(%arg9 : memref<!tpu.dma_semaphore, #tpu.memory_space<semaphore_mem>>)
    %add3A_7 = arith.constant 392 : i32
    %add3A_8 = arith.addi %mul3A_2, %add3A_7 : i32
    "tpu.region"() ({
      %run_scoped3A = tpu.sem_alloc : memref<!tpu.dma_semaphore, #tpu.memory_space<semaphore_mem>>
      %dma_start3A_41 = tpu.memref_slice %arg3[%add3A_8] : memref<50176xi32, #tpu.memory_space<hbm>> -> memref<392xi32, #tpu.memory_space<hbm>>
      %dma_start3A_42 = tpu.memref_slice %arg3[%add3A_8] : memref<50176xi32, #tpu.memory_space<hbm>> -> memref<392xi32, #tpu.memory_space<hbm>>
      tpu.enqueue_dma source(%dma_start3A_42 : memref<392xi32, #tpu.memory_space<hbm>>) target(%arg6 : memref<392xi32, #tpu.memory_space<vmem>>) target_semaphore(%run_scoped3A : memref<!tpu.dma_semaphore, #tpu.memory_space<semaphore_mem>>)
      %dma_wait3A_43 = tpu.memref_slice %arg3[%add3A_8] : memref<50176xi32, #tpu.memory_space<hbm>> -> memref<392xi32, #tpu.memory_space<hbm>>
      %dma_wait3A_44 = tpu.memref_slice %arg3[%add3A_8] : memref<50176xi32, #tpu.memory_space<hbm>> -> memref<392xi32, #tpu.memory_space<hbm>>
      tpu.wait_dma2 semaphore(%run_scoped3A : memref<!tpu.dma_semaphore, #tpu.memory_space<semaphore_mem>>) src(%dma_wait3A_44 : memref<392xi32, #tpu.memory_space<hbm>>) dst(%arg6 : memref<392xi32, #tpu.memory_space<vmem>>)
      tpu.yield
    }) : () -> ()
    %dma_start3A_9 = arith.constant 0 : i32
    %dma_start3A_10 = arith.constant 0 : i32
    %dma_start3A_11 = tpu.memref_slice %arg2[%dma_start3A_9, %dma_start3A_10] : memref<6912x128xf32, #tpu.memory_space<hbm>> -> memref<6912x128xf32, #tpu.memory_space<hbm>>
    tpu.enqueue_indirect_dma source(%dma_start3A_11 : memref<6912x128xf32, #tpu.memory_space<hbm>>) target(%arg8 : memref<392x128xf32, #tpu.memory_space<vmem>>) offsets(%arg6 : memref<392xi32, #tpu.memory_space<vmem>>) semaphore(%arg10 : memref<!tpu.dma_semaphore, #tpu.memory_space<semaphore_mem>>)
    %dma_wait3A = arith.constant 0 : i32
    %dma_wait3A_12 = arith.constant 0 : i32
    %dma_wait3A_13 = tpu.memref_slice %arg2[%dma_wait3A, %dma_wait3A_12] : memref<6912x128xf32, #tpu.memory_space<hbm>> -> memref<6912x128xf32, #tpu.memory_space<hbm>>
    tpu.wait_indirect_dma semaphore(%arg9 : memref<!tpu.dma_semaphore, #tpu.memory_space<semaphore_mem>>) src(%dma_wait3A_13 : memref<6912x128xf32, #tpu.memory_space<hbm>>) dst(%arg7 : memref<392x128xf32, #tpu.memory_space<vmem>>)
    %add3A_14 = arith.constant 0 : i32
    %add3A_15 = arith.addi %mul3A_2, %add3A_14 : i32
    "tpu.region"() ({
      %run_scoped3A = tpu.sem_alloc : memref<!tpu.dma_semaphore, #tpu.memory_space<semaphore_mem>>
      %dma_start3A_41 = arith.constant 0 : i32
      %dma_start3A_42 = tpu.memref_slice %arg4[%add3A_15, %dma_start3A_41] : memref<50176x128xf32, #tpu.memory_space<hbm>> -> memref<392x128xf32, #tpu.memory_space<hbm>>
      %dma_start3A_43 = arith.constant 0 : i32
      %dma_start3A_44 = tpu.memref_slice %arg4[%add3A_15, %dma_start3A_43] : memref<50176x128xf32, #tpu.memory_space<hbm>> -> memref<392x128xf32, #tpu.memory_space<hbm>>
      tpu.enqueue_dma source(%arg7 : memref<392x128xf32, #tpu.memory_space<vmem>>) target(%dma_start3A_44 : memref<392x128xf32, #tpu.memory_space<hbm>>) target_semaphore(%run_scoped3A : memref<!tpu.dma_semaphore, #tpu.memory_space<semaphore_mem>>)
      %dma_wait3A_45 = arith.constant 0 : i32
      %dma_wait3A_46 = tpu.memref_slice %arg4[%add3A_15, %dma_wait3A_45] : memref<50176x128xf32, #tpu.memory_space<hbm>> -> memref<392x128xf32, #tpu.memory_space<hbm>>
      %dma_wait3A_47 = arith.constant 0 : i32
      %dma_wait3A_48 = tpu.memref_slice %arg4[%add3A_15, %dma_wait3A_47] : memref<50176x128xf32, #tpu.memory_space<hbm>> -> memref<392x128xf32, #tpu.memory_space<hbm>>
      tpu.wait_dma2 semaphore(%run_scoped3A : memref<!tpu.dma_semaphore, #tpu.memory_space<semaphore_mem>>) src(%arg7 : memref<392x128xf32, #tpu.memory_space<vmem>>) dst(%dma_wait3A_48 : memref<392x128xf32, #tpu.memory_space<hbm>>)
      tpu.yield
    }) : () -> ()
    %add3A_16 = arith.constant 784 : i32
    %add3A_17 = arith.addi %mul3A_2, %add3A_16 : i32
    "tpu.region"() ({
      %run_scoped3A = tpu.sem_alloc : memref<!tpu.dma_semaphore, #tpu.memory_space<semaphore_mem>>
      %dma_start3A_41 = tpu.memref_slice %arg3[%add3A_17] : memref<50176xi32, #tpu.memory_space<hbm>> -> memref<392xi32, #tpu.memory_space<hbm>>
      %dma_start3A_42 = tpu.memref_slice %arg3[%add3A_17] : memref<50176xi32, #tpu.memory_space<hbm>> -> memref<392xi32, #tpu.memory_space<hbm>>
      tpu.enqueue_dma source(%dma_start3A_42 : memref<392xi32, #tpu.memory_space<hbm>>) target(%arg5 : memref<392xi32, #tpu.memory_space<vmem>>) target_semaphore(%run_scoped3A : memref<!tpu.dma_semaphore, #tpu.memory_space<semaphore_mem>>)
      %dma_wait3A_43 = tpu.memref_slice %arg3[%add3A_17] : memref<50176xi32, #tpu.memory_space<hbm>> -> memref<392xi32, #tpu.memory_space<hbm>>
      %dma_wait3A_44 = tpu.memref_slice %arg3[%add3A_17] : memref<50176xi32, #tpu.memory_space<hbm>> -> memref<392xi32, #tpu.memory_space<hbm>>
      tpu.wait_dma2 semaphore(%run_scoped3A : memref<!tpu.dma_semaphore, #tpu.memory_space<semaphore_mem>>) src(%dma_wait3A_44 : memref<392xi32, #tpu.memory_space<hbm>>) dst(%arg5 : memref<392xi32, #tpu.memory_space<vmem>>)
      tpu.yield
    }) : () -> ()
    %dma_start3A_18 = arith.constant 0 : i32
    %dma_start3A_19 = arith.constant 0 : i32
    %dma_start3A_20 = tpu.memref_slice %arg2[%dma_start3A_18, %dma_start3A_19] : memref<6912x128xf32, #tpu.memory_space<hbm>> -> memref<6912x128xf32, #tpu.memory_space<hbm>>
    tpu.enqueue_indirect_dma source(%dma_start3A_20 : memref<6912x128xf32, #tpu.memory_space<hbm>>) target(%arg7 : memref<392x128xf32, #tpu.memory_space<vmem>>) offsets(%arg5 : memref<392xi32, #tpu.memory_space<vmem>>) semaphore(%arg9 : memref<!tpu.dma_semaphore, #tpu.memory_space<semaphore_mem>>)
    %dma_wait3A_21 = arith.constant 0 : i32
    %dma_wait3A_22 = arith.constant 0 : i32
    %dma_wait3A_23 = tpu.memref_slice %arg2[%dma_wait3A_21, %dma_wait3A_22] : memref<6912x128xf32, #tpu.memory_space<hbm>> -> memref<6912x128xf32, #tpu.memory_space<hbm>>
    tpu.wait_indirect_dma semaphore(%arg10 : memref<!tpu.dma_semaphore, #tpu.memory_space<semaphore_mem>>) src(%dma_wait3A_23 : memref<6912x128xf32, #tpu.memory_space<hbm>>) dst(%arg8 : memref<392x128xf32, #tpu.memory_space<vmem>>)
    %add3A_24 = arith.constant 392 : i32
    %add3A_25 = arith.addi %mul3A_2, %add3A_24 : i32
    "tpu.region"() ({
      %run_scoped3A = tpu.sem_alloc : memref<!tpu.dma_semaphore, #tpu.memory_space<semaphore_mem>>
      %dma_start3A_41 = arith.constant 0 : i32
      %dma_start3A_42 = tpu.memref_slice %arg4[%add3A_25, %dma_start3A_41] : memref<50176x128xf32, #tpu.memory_space<hbm>> -> memref<392x128xf32, #tpu.memory_space<hbm>>
      %dma_start3A_43 = arith.constant 0 : i32
      %dma_start3A_44 = tpu.memref_slice %arg4[%add3A_25, %dma_start3A_43] : memref<50176x128xf32, #tpu.memory_space<hbm>> -> memref<392x128xf32, #tpu.memory_space<hbm>>
      tpu.enqueue_dma source(%arg8 : memref<392x128xf32, #tpu.memory_space<vmem>>) target(%dma_start3A_44 : memref<392x128xf32, #tpu.memory_space<hbm>>) target_semaphore(%run_scoped3A : memref<!tpu.dma_semaphore, #tpu.memory_space<semaphore_mem>>)
      %dma_wait3A_45 = arith.constant 0 : i32
      %dma_wait3A_46 = tpu.memref_slice %arg4[%add3A_25, %dma_wait3A_45] : memref<50176x128xf32, #tpu.memory_space<hbm>> -> memref<392x128xf32, #tpu.memory_space<hbm>>
      %dma_wait3A_47 = arith.constant 0 : i32
      %dma_wait3A_48 = tpu.memref_slice %arg4[%add3A_25, %dma_wait3A_47] : memref<50176x128xf32, #tpu.memory_space<hbm>> -> memref<392x128xf32, #tpu.memory_space<hbm>>
      tpu.wait_dma2 semaphore(%run_scoped3A : memref<!tpu.dma_semaphore, #tpu.memory_space<semaphore_mem>>) src(%arg8 : memref<392x128xf32, #tpu.memory_space<vmem>>) dst(%dma_wait3A_48 : memref<392x128xf32, #tpu.memory_space<hbm>>)
      tpu.yield
    }) : () -> ()
    %add3A_26 = arith.constant 1176 : i32
    %add3A_27 = arith.addi %mul3A_2, %add3A_26 : i32
    "tpu.region"() ({
      %run_scoped3A = tpu.sem_alloc : memref<!tpu.dma_semaphore, #tpu.memory_space<semaphore_mem>>
      %dma_start3A_41 = tpu.memref_slice %arg3[%add3A_27] : memref<50176xi32, #tpu.memory_space<hbm>> -> memref<392xi32, #tpu.memory_space<hbm>>
      %dma_start3A_42 = tpu.memref_slice %arg3[%add3A_27] : memref<50176xi32, #tpu.memory_space<hbm>> -> memref<392xi32, #tpu.memory_space<hbm>>
      tpu.enqueue_dma source(%dma_start3A_42 : memref<392xi32, #tpu.memory_space<hbm>>) target(%arg6 : memref<392xi32, #tpu.memory_space<vmem>>) target_semaphore(%run_scoped3A : memref<!tpu.dma_semaphore, #tpu.memory_space<semaphore_mem>>)
      %dma_wait3A_43 = tpu.memref_slice %arg3[%add3A_27] : memref<50176xi32, #tpu.memory_space<hbm>> -> memref<392xi32, #tpu.memory_space<hbm>>
      %dma_wait3A_44 = tpu.memref_slice %arg3[%add3A_27] : memref<50176xi32, #tpu.memory_space<hbm>> -> memref<392xi32, #tpu.memory_space<hbm>>
      tpu.wait_dma2 semaphore(%run_scoped3A : memref<!tpu.dma_semaphore, #tpu.memory_space<semaphore_mem>>) src(%dma_wait3A_44 : memref<392xi32, #tpu.memory_space<hbm>>) dst(%arg6 : memref<392xi32, #tpu.memory_space<vmem>>)
      tpu.yield
    }) : () -> ()
    %dma_start3A_28 = arith.constant 0 : i32
    %dma_start3A_29 = arith.constant 0 : i32
    %dma_start3A_30 = tpu.memref_slice %arg2[%dma_start3A_28, %dma_start3A_29] : memref<6912x128xf32, #tpu.memory_space<hbm>> -> memref<6912x128xf32, #tpu.memory_space<hbm>>
    tpu.enqueue_indirect_dma source(%dma_start3A_30 : memref<6912x128xf32, #tpu.memory_space<hbm>>) target(%arg8 : memref<392x128xf32, #tpu.memory_space<vmem>>) offsets(%arg6 : memref<392xi32, #tpu.memory_space<vmem>>) semaphore(%arg10 : memref<!tpu.dma_semaphore, #tpu.memory_space<semaphore_mem>>)
    %dma_wait3A_31 = arith.constant 0 : i32
    %dma_wait3A_32 = arith.constant 0 : i32
    %dma_wait3A_33 = tpu.memref_slice %arg2[%dma_wait3A_31, %dma_wait3A_32] : memref<6912x128xf32, #tpu.memory_space<hbm>> -> memref<6912x128xf32, #tpu.memory_space<hbm>>
    tpu.wait_indirect_dma semaphore(%arg9 : memref<!tpu.dma_semaphore, #tpu.memory_space<semaphore_mem>>) src(%dma_wait3A_33 : memref<6912x128xf32, #tpu.memory_space<hbm>>) dst(%arg7 : memref<392x128xf32, #tpu.memory_space<vmem>>)
    %add3A_34 = arith.constant 784 : i32
    %add3A_35 = arith.addi %mul3A_2, %add3A_34 : i32
    "tpu.region"() ({
      %run_scoped3A = tpu.sem_alloc : memref<!tpu.dma_semaphore, #tpu.memory_space<semaphore_mem>>
      %dma_start3A_41 = arith.constant 0 : i32
      %dma_start3A_42 = tpu.memref_slice %arg4[%add3A_35, %dma_start3A_41] : memref<50176x128xf32, #tpu.memory_space<hbm>> -> memref<392x128xf32, #tpu.memory_space<hbm>>
      %dma_start3A_43 = arith.constant 0 : i32
      %dma_start3A_44 = tpu.memref_slice %arg4[%add3A_35, %dma_start3A_43] : memref<50176x128xf32, #tpu.memory_space<hbm>> -> memref<392x128xf32, #tpu.memory_space<hbm>>
      tpu.enqueue_dma source(%arg7 : memref<392x128xf32, #tpu.memory_space<vmem>>) target(%dma_start3A_44 : memref<392x128xf32, #tpu.memory_space<hbm>>) target_semaphore(%run_scoped3A : memref<!tpu.dma_semaphore, #tpu.memory_space<semaphore_mem>>)
      %dma_wait3A_45 = arith.constant 0 : i32
      %dma_wait3A_46 = tpu.memref_slice %arg4[%add3A_35, %dma_wait3A_45] : memref<50176x128xf32, #tpu.memory_space<hbm>> -> memref<392x128xf32, #tpu.memory_space<hbm>>
      %dma_wait3A_47 = arith.constant 0 : i32
      %dma_wait3A_48 = tpu.memref_slice %arg4[%add3A_35, %dma_wait3A_47] : memref<50176x128xf32, #tpu.memory_space<hbm>> -> memref<392x128xf32, #tpu.memory_space<hbm>>
      tpu.wait_dma2 semaphore(%run_scoped3A : memref<!tpu.dma_semaphore, #tpu.memory_space<semaphore_mem>>) src(%arg7 : memref<392x128xf32, #tpu.memory_space<vmem>>) dst(%dma_wait3A_48 : memref<392x128xf32, #tpu.memory_space<hbm>>)
      tpu.yield
    }) : () -> ()
    %dma_wait3A_36 = arith.constant 0 : i32
    %dma_wait3A_37 = arith.constant 0 : i32
    %dma_wait3A_38 = tpu.memref_slice %arg2[%dma_wait3A_36, %dma_wait3A_37] : memref<6912x128xf32, #tpu.memory_space<hbm>> -> memref<6912x128xf32, #tpu.memory_space<hbm>>
    tpu.wait_indirect_dma semaphore(%arg10 : memref<!tpu.dma_semaphore, #tpu.memory_space<semaphore_mem>>) src(%dma_wait3A_38 : memref<6912x128xf32, #tpu.memory_space<hbm>>) dst(%arg8 : memref<392x128xf32, #tpu.memory_space<vmem>>)
    %add3A_39 = arith.constant 1176 : i32
    %add3A_40 = arith.addi %mul3A_2, %add3A_39 : i32
    "tpu.region"() ({
      %run_scoped3A = tpu.sem_alloc : memref<!tpu.dma_semaphore, #tpu.memory_space<semaphore_mem>>
      %dma_start3A_41 = arith.constant 0 : i32
      %dma_start3A_42 = tpu.memref_slice %arg4[%add3A_40, %dma_start3A_41] : memref<50176x128xf32, #tpu.memory_space<hbm>> -> memref<392x128xf32, #tpu.memory_space<hbm>>
      %dma_start3A_43 = arith.constant 0 : i32
      %dma_start3A_44 = tpu.memref_slice %arg4[%add3A_40, %dma_start3A_43] : memref<50176x128xf32, #tpu.memory_space<hbm>> -> memref<392x128xf32, #tpu.memory_space<hbm>>
      tpu.enqueue_dma source(%arg8 : memref<392x128xf32, #tpu.memory_space<vmem>>) target(%dma_start3A_44 : memref<392x128xf32, #tpu.memory_space<hbm>>) target_semaphore(%run_scoped3A : memref<!tpu.dma_semaphore, #tpu.memory_space<semaphore_mem>>)
      %dma_wait3A_45 = arith.constant 0 : i32
      %dma_wait3A_46 = tpu.memref_slice %arg4[%add3A_40, %dma_wait3A_45] : memref<50176x128xf32, #tpu.memory_space<hbm>> -> memref<392x128xf32, #tpu.memory_space<hbm>>
      %dma_wait3A_47 = arith.constant 0 : i32
      %dma_wait3A_48 = tpu.memref_slice %arg4[%add3A_40, %dma_wait3A_47] : memref<50176x128xf32, #tpu.memory_space<hbm>> -> memref<392x128xf32, #tpu.memory_space<hbm>>
      tpu.wait_dma2 semaphore(%run_scoped3A : memref<!tpu.dma_semaphore, #tpu.memory_space<semaphore_mem>>) src(%arg8 : memref<392x128xf32, #tpu.memory_space<vmem>>) dst(%dma_wait3A_48 : memref<392x128xf32, #tpu.memory_space<hbm>>)
      tpu.yield
    }) : () -> ()
    return
  }
}

#map = affine_map<(d0, d1) -> (0, 0)>
#map1 = affine_map<(d0, d1) -> (0)>
module attributes {stable_mosaic.version = 14 : i64} {
  func.func @gk(%arg0: i32, %arg1: i32, %arg2: memref<6912x128xf32, #tpu.memory_space<hbm>>, %arg3: memref<50176xi32, #tpu.memory_space<hbm>>, %arg4: memref<50176x128xf32, #tpu.memory_space<hbm>>, %arg5: memref<392xi32, #tpu.memory_space<vmem>>, %arg6: memref<392xi32, #tpu.memory_space<vmem>>, %arg7: memref<392x128xf32, #tpu.memory_space<vmem>>, %arg8: memref<392x128xf32, #tpu.memory_space<vmem>>, %arg9: memref<!tpu.dma_semaphore, #tpu.memory_space<semaphore_mem>>, %arg10: memref<!tpu.dma_semaphore, #tpu.memory_space<semaphore_mem>>) attributes {dimension_semantics = [#tpu.dimension_semantics<core_parallel>, #tpu.dimension_semantics<subcore_parallel>], iteration_bounds = array<i64: 2, 16>, scalar_prefetch = 0 : i64, scratch_operands = 6 : i64, tpu.core_type = #tpu.core_type<sc_vector_subcore>, window_params = [{transform_indices = #map}, {transform_indices = #map1}, {transform_indices = #map}]} {
    %mul3A = arith.constant 2 : i32
    %mul3A_0 = arith.muli %arg1, %mul3A : i32
    %add3A = arith.addi %mul3A_0, %arg0 : i32
    %mul3A_1 = arith.constant 1568 : i32
    %mul3A_2 = arith.muli %add3A, %mul3A_1 : i32
    %add3A_3 = arith.constant 0 : i32
    %add3A_4 = arith.addi %mul3A_2, %add3A_3 : i32
    "tpu.region"() ({
      %run_scoped3A = tpu.sem_alloc : memref<!tpu.dma_semaphore, #tpu.memory_space<semaphore_mem>>
      %dma_start3A_41 = tpu.memref_slice %arg3[%add3A_4] : memref<50176xi32, #tpu.memory_space<hbm>> -> memref<392xi32, #tpu.memory_space<hbm>>
      %dma_start3A_42 = tpu.memref_slice %arg3[%add3A_4] : memref<50176xi32, #tpu.memory_space<hbm>> -> memref<392xi32, #tpu.memory_space<hbm>>
      tpu.enqueue_dma source(%dma_start3A_42 : memref<392xi32, #tpu.memory_space<hbm>>) target(%arg5 : memref<392xi32, #tpu.memory_space<vmem>>) target_semaphore(%run_scoped3A : memref<!tpu.dma_semaphore, #tpu.memory_space<semaphore_mem>>)
      %dma_wait3A_43 = tpu.memref_slice %arg3[%add3A_4] : memref<50176xi32, #tpu.memory_space<hbm>> -> memref<392xi32, #tpu.memory_space<hbm>>
      %dma_wait3A_44 = tpu.memref_slice %arg3[%add3A_4] : memref<50176xi32, #tpu.memory_space<hbm>> -> memref<392xi32, #tpu.memory_space<hbm>>
      tpu.wait_dma2 semaphore(%run_scoped3A : memref<!tpu.dma_semaphore, #tpu.memory_space<semaphore_mem>>) src(%dma_wait3A_44 : memref<392xi32, #tpu.memory_space<hbm>>) dst(%arg5 : memref<392xi32, #tpu.memory_space<vmem>>)
      tpu.yield
    }) : () -> ()
    %dma_start3A = arith.constant 0 : i32
    %dma_start3A_5 = arith.constant 0 : i32
    %dma_start3A_6 = tpu.memref_slice %arg2[%dma_start3A, %dma_start3A_5] : memref<6912x128xf32, #tpu.memory_space<hbm>> -> memref<6912x128xf32, #tpu.memory_space<hbm>>
    tpu.enqueue_indirect_dma source(%dma_start3A_6 : memref<6912x128xf32, #tpu.memory_space<hbm>>) target(%arg7 : memref<392x128xf32, #tpu.memory_space<vmem>>) offsets(%arg5 : memref<392xi32, #tpu.memory_space<vmem>>) semaphore(%arg9 : memref<!tpu.dma_semaphore, #tpu.memory_space<semaphore_mem>>)
    %add3A_7 = arith.constant 392 : i32
    %add3A_8 = arith.addi %mul3A_2, %add3A_7 : i32
    "tpu.region"() ({
      %run_scoped3A = tpu.sem_alloc : memref<!tpu.dma_semaphore, #tpu.memory_space<semaphore_mem>>
      %dma_start3A_41 = tpu.memref_slice %arg3[%add3A_8] : memref<50176xi32, #tpu.memory_space<hbm>> -> memref<392xi32, #tpu.memory_space<hbm>>
      %dma_start3A_42 = tpu.memref_slice %arg3[%add3A_8] : memref<50176xi32, #tpu.memory_space<hbm>> -> memref<392xi32, #tpu.memory_space<hbm>>
      tpu.enqueue_dma source(%dma_start3A_42 : memref<392xi32, #tpu.memory_space<hbm>>) target(%arg6 : memref<392xi32, #tpu.memory_space<vmem>>) target_semaphore(%run_scoped3A : memref<!tpu.dma_semaphore, #tpu.memory_space<semaphore_mem>>)
      %dma_wait3A_43 = tpu.memref_slice %arg3[%add3A_8] : memref<50176xi32, #tpu.memory_space<hbm>> -> memref<392xi32, #tpu.memory_space<hbm>>
      %dma_wait3A_44 = tpu.memref_slice %arg3[%add3A_8] : memref<50176xi32, #tpu.memory_space<hbm>> -> memref<392xi32, #tpu.memory_space<hbm>>
      tpu.wait_dma2 semaphore(%run_scoped3A : memref<!tpu.dma_semaphore, #tpu.memory_space<semaphore_mem>>) src(%dma_wait3A_44 : memref<392xi32, #tpu.memory_space<hbm>>) dst(%arg6 : memref<392xi32, #tpu.memory_space<vmem>>)
      tpu.yield
    }) : () -> ()
    %dma_start3A_9 = arith.constant 0 : i32
    %dma_start3A_10 = arith.constant 0 : i32
    %dma_start3A_11 = tpu.memref_slice %arg2[%dma_start3A_9, %dma_start3A_10] : memref<6912x128xf32, #tpu.memory_space<hbm>> -> memref<6912x128xf32, #tpu.memory_space<hbm>>
    tpu.enqueue_indirect_dma source(%dma_start3A_11 : memref<6912x128xf32, #tpu.memory_space<hbm>>) target(%arg8 : memref<392x128xf32, #tpu.memory_space<vmem>>) offsets(%arg6 : memref<392xi32, #tpu.memory_space<vmem>>) semaphore(%arg10 : memref<!tpu.dma_semaphore, #tpu.memory_space<semaphore_mem>>)
    %dma_wait3A = arith.constant 0 : i32
    %dma_wait3A_12 = arith.constant 0 : i32
    %dma_wait3A_13 = tpu.memref_slice %arg2[%dma_wait3A, %dma_wait3A_12] : memref<6912x128xf32, #tpu.memory_space<hbm>> -> memref<6912x128xf32, #tpu.memory_space<hbm>>
    tpu.wait_indirect_dma semaphore(%arg9 : memref<!tpu.dma_semaphore, #tpu.memory_space<semaphore_mem>>) src(%dma_wait3A_13 : memref<6912x128xf32, #tpu.memory_space<hbm>>) dst(%arg7 : memref<392x128xf32, #tpu.memory_space<vmem>>)
    %add3A_14 = arith.constant 0 : i32
    %add3A_15 = arith.addi %mul3A_2, %add3A_14 : i32
    "tpu.region"() ({
      %run_scoped3A = tpu.sem_alloc : memref<!tpu.dma_semaphore, #tpu.memory_space<semaphore_mem>>
      %dma_start3A_41 = arith.constant 0 : i32
      %dma_start3A_42 = tpu.memref_slice %arg4[%add3A_15, %dma_start3A_41] : memref<50176x128xf32, #tpu.memory_space<hbm>> -> memref<392x128xf32, #tpu.memory_space<hbm>>
      %dma_start3A_43 = arith.constant 0 : i32
      %dma_start3A_44 = tpu.memref_slice %arg4[%add3A_15, %dma_start3A_43] : memref<50176x128xf32, #tpu.memory_space<hbm>> -> memref<392x128xf32, #tpu.memory_space<hbm>>
      tpu.enqueue_dma source(%arg7 : memref<392x128xf32, #tpu.memory_space<vmem>>) target(%dma_start3A_44 : memref<392x128xf32, #tpu.memory_space<hbm>>) target_semaphore(%run_scoped3A : memref<!tpu.dma_semaphore, #tpu.memory_space<semaphore_mem>>)
      %dma_wait3A_45 = arith.constant 0 : i32
      %dma_wait3A_46 = tpu.memref_slice %arg4[%add3A_15, %dma_wait3A_45] : memref<50176x128xf32, #tpu.memory_space<hbm>> -> memref<392x128xf32, #tpu.memory_space<hbm>>
      %dma_wait3A_47 = arith.constant 0 : i32
      %dma_wait3A_48 = tpu.memref_slice %arg4[%add3A_15, %dma_wait3A_47] : memref<50176x128xf32, #tpu.memory_space<hbm>> -> memref<392x128xf32, #tpu.memory_space<hbm>>
      tpu.wait_dma2 semaphore(%run_scoped3A : memref<!tpu.dma_semaphore, #tpu.memory_space<semaphore_mem>>) src(%arg7 : memref<392x128xf32, #tpu.memory_space<vmem>>) dst(%dma_wait3A_48 : memref<392x128xf32, #tpu.memory_space<hbm>>)
      tpu.yield
    }) : () -> ()
    %add3A_16 = arith.constant 784 : i32
    %add3A_17 = arith.addi %mul3A_2, %add3A_16 : i32
    "tpu.region"() ({
      %run_scoped3A = tpu.sem_alloc : memref<!tpu.dma_semaphore, #tpu.memory_space<semaphore_mem>>
      %dma_start3A_41 = tpu.memref_slice %arg3[%add3A_17] : memref<50176xi32, #tpu.memory_space<hbm>> -> memref<392xi32, #tpu.memory_space<hbm>>
      %dma_start3A_42 = tpu.memref_slice %arg3[%add3A_17] : memref<50176xi32, #tpu.memory_space<hbm>> -> memref<392xi32, #tpu.memory_space<hbm>>
      tpu.enqueue_dma source(%dma_start3A_42 : memref<392xi32, #tpu.memory_space<hbm>>) target(%arg5 : memref<392xi32, #tpu.memory_space<vmem>>) target_semaphore(%run_scoped3A : memref<!tpu.dma_semaphore, #tpu.memory_space<semaphore_mem>>)
      %dma_wait3A_43 = tpu.memref_slice %arg3[%add3A_17] : memref<50176xi32, #tpu.memory_space<hbm>> -> memref<392xi32, #tpu.memory_space<hbm>>
      %dma_wait3A_44 = tpu.memref_slice %arg3[%add3A_17] : memref<50176xi32, #tpu.memory_space<hbm>> -> memref<392xi32, #tpu.memory_space<hbm>>
      tpu.wait_dma2 semaphore(%run_scoped3A : memref<!tpu.dma_semaphore, #tpu.memory_space<semaphore_mem>>) src(%dma_wait3A_44 : memref<392xi32, #tpu.memory_space<hbm>>) dst(%arg5 : memref<392xi32, #tpu.memory_space<vmem>>)
      tpu.yield
    }) : () -> ()
    %dma_start3A_18 = arith.constant 0 : i32
    %dma_start3A_19 = arith.constant 0 : i32
    %dma_start3A_20 = tpu.memref_slice %arg2[%dma_start3A_18, %dma_start3A_19] : memref<6912x128xf32, #tpu.memory_space<hbm>> -> memref<6912x128xf32, #tpu.memory_space<hbm>>
    tpu.enqueue_indirect_dma source(%dma_start3A_20 : memref<6912x128xf32, #tpu.memory_space<hbm>>) target(%arg7 : memref<392x128xf32, #tpu.memory_space<vmem>>) offsets(%arg5 : memref<392xi32, #tpu.memory_space<vmem>>) semaphore(%arg9 : memref<!tpu.dma_semaphore, #tpu.memory_space<semaphore_mem>>)
    %dma_wait3A_21 = arith.constant 0 : i32
    %dma_wait3A_22 = arith.constant 0 : i32
    %dma_wait3A_23 = tpu.memref_slice %arg2[%dma_wait3A_21, %dma_wait3A_22] : memref<6912x128xf32, #tpu.memory_space<hbm>> -> memref<6912x128xf32, #tpu.memory_space<hbm>>
    tpu.wait_indirect_dma semaphore(%arg10 : memref<!tpu.dma_semaphore, #tpu.memory_space<semaphore_mem>>) src(%dma_wait3A_23 : memref<6912x128xf32, #tpu.memory_space<hbm>>) dst(%arg8 : memref<392x128xf32, #tpu.memory_space<vmem>>)
    %add3A_24 = arith.constant 392 : i32
    %add3A_25 = arith.addi %mul3A_2, %add3A_24 : i32
    "tpu.region"() ({
      %run_scoped3A = tpu.sem_alloc : memref<!tpu.dma_semaphore, #tpu.memory_space<semaphore_mem>>
      %dma_start3A_41 = arith.constant 0 : i32
      %dma_start3A_42 = tpu.memref_slice %arg4[%add3A_25, %dma_start3A_41] : memref<50176x128xf32, #tpu.memory_space<hbm>> -> memref<392x128xf32, #tpu.memory_space<hbm>>
      %dma_start3A_43 = arith.constant 0 : i32
      %dma_start3A_44 = tpu.memref_slice %arg4[%add3A_25, %dma_start3A_43] : memref<50176x128xf32, #tpu.memory_space<hbm>> -> memref<392x128xf32, #tpu.memory_space<hbm>>
      tpu.enqueue_dma source(%arg8 : memref<392x128xf32, #tpu.memory_space<vmem>>) target(%dma_start3A_44 : memref<392x128xf32, #tpu.memory_space<hbm>>) target_semaphore(%run_scoped3A : memref<!tpu.dma_semaphore, #tpu.memory_space<semaphore_mem>>)
      %dma_wait3A_45 = arith.constant 0 : i32
      %dma_wait3A_46 = tpu.memref_slice %arg4[%add3A_25, %dma_wait3A_45] : memref<50176x128xf32, #tpu.memory_space<hbm>> -> memref<392x128xf32, #tpu.memory_space<hbm>>
      %dma_wait3A_47 = arith.constant 0 : i32
      %dma_wait3A_48 = tpu.memref_slice %arg4[%add3A_25, %dma_wait3A_47] : memref<50176x128xf32, #tpu.memory_space<hbm>> -> memref<392x128xf32, #tpu.memory_space<hbm>>
      tpu.wait_dma2 semaphore(%run_scoped3A : memref<!tpu.dma_semaphore, #tpu.memory_space<semaphore_mem>>) src(%arg8 : memref<392x128xf32, #tpu.memory_space<vmem>>) dst(%dma_wait3A_48 : memref<392x128xf32, #tpu.memory_space<hbm>>)
      tpu.yield
    }) : () -> ()
    %add3A_26 = arith.constant 1176 : i32
    %add3A_27 = arith.addi %mul3A_2, %add3A_26 : i32
    "tpu.region"() ({
      %run_scoped3A = tpu.sem_alloc : memref<!tpu.dma_semaphore, #tpu.memory_space<semaphore_mem>>
      %dma_start3A_41 = tpu.memref_slice %arg3[%add3A_27] : memref<50176xi32, #tpu.memory_space<hbm>> -> memref<392xi32, #tpu.memory_space<hbm>>
      %dma_start3A_42 = tpu.memref_slice %arg3[%add3A_27] : memref<50176xi32, #tpu.memory_space<hbm>> -> memref<392xi32, #tpu.memory_space<hbm>>
      tpu.enqueue_dma source(%dma_start3A_42 : memref<392xi32, #tpu.memory_space<hbm>>) target(%arg6 : memref<392xi32, #tpu.memory_space<vmem>>) target_semaphore(%run_scoped3A : memref<!tpu.dma_semaphore, #tpu.memory_space<semaphore_mem>>)
      %dma_wait3A_43 = tpu.memref_slice %arg3[%add3A_27] : memref<50176xi32, #tpu.memory_space<hbm>> -> memref<392xi32, #tpu.memory_space<hbm>>
      %dma_wait3A_44 = tpu.memref_slice %arg3[%add3A_27] : memref<50176xi32, #tpu.memory_space<hbm>> -> memref<392xi32, #tpu.memory_space<hbm>>
      tpu.wait_dma2 semaphore(%run_scoped3A : memref<!tpu.dma_semaphore, #tpu.memory_space<semaphore_mem>>) src(%dma_wait3A_44 : memref<392xi32, #tpu.memory_space<hbm>>) dst(%arg6 : memref<392xi32, #tpu.memory_space<vmem>>)
      tpu.yield
    }) : () -> ()
    %dma_start3A_28 = arith.constant 0 : i32
    %dma_start3A_29 = arith.constant 0 : i32
    %dma_start3A_30 = tpu.memref_slice %arg2[%dma_start3A_28, %dma_start3A_29] : memref<6912x128xf32, #tpu.memory_space<hbm>> -> memref<6912x128xf32, #tpu.memory_space<hbm>>
    tpu.enqueue_indirect_dma source(%dma_start3A_30 : memref<6912x128xf32, #tpu.memory_space<hbm>>) target(%arg8 : memref<392x128xf32, #tpu.memory_space<vmem>>) offsets(%arg6 : memref<392xi32, #tpu.memory_space<vmem>>) semaphore(%arg10 : memref<!tpu.dma_semaphore, #tpu.memory_space<semaphore_mem>>)
    %dma_wait3A_31 = arith.constant 0 : i32
    %dma_wait3A_32 = arith.constant 0 : i32
    %dma_wait3A_33 = tpu.memref_slice %arg2[%dma_wait3A_31, %dma_wait3A_32] : memref<6912x128xf32, #tpu.memory_space<hbm>> -> memref<6912x128xf32, #tpu.memory_space<hbm>>
    tpu.wait_indirect_dma semaphore(%arg9 : memref<!tpu.dma_semaphore, #tpu.memory_space<semaphore_mem>>) src(%dma_wait3A_33 : memref<6912x128xf32, #tpu.memory_space<hbm>>) dst(%arg7 : memref<392x128xf32, #tpu.memory_space<vmem>>)
    %add3A_34 = arith.constant 784 : i32
    %add3A_35 = arith.addi %mul3A_2, %add3A_34 : i32
    "tpu.region"() ({
      %run_scoped3A = tpu.sem_alloc : memref<!tpu.dma_semaphore, #tpu.memory_space<semaphore_mem>>
      %dma_start3A_41 = arith.constant 0 : i32
      %dma_start3A_42 = tpu.memref_slice %arg4[%add3A_35, %dma_start3A_41] : memref<50176x128xf32, #tpu.memory_space<hbm>> -> memref<392x128xf32, #tpu.memory_space<hbm>>
      %dma_start3A_43 = arith.constant 0 : i32
      %dma_start3A_44 = tpu.memref_slice %arg4[%add3A_35, %dma_start3A_43] : memref<50176x128xf32, #tpu.memory_space<hbm>> -> memref<392x128xf32, #tpu.memory_space<hbm>>
      tpu.enqueue_dma source(%arg7 : memref<392x128xf32, #tpu.memory_space<vmem>>) target(%dma_start3A_44 : memref<392x128xf32, #tpu.memory_space<hbm>>) target_semaphore(%run_scoped3A : memref<!tpu.dma_semaphore, #tpu.memory_space<semaphore_mem>>)
      %dma_wait3A_45 = arith.constant 0 : i32
      %dma_wait3A_46 = tpu.memref_slice %arg4[%add3A_35, %dma_wait3A_45] : memref<50176x128xf32, #tpu.memory_space<hbm>> -> memref<392x128xf32, #tpu.memory_space<hbm>>
      %dma_wait3A_47 = arith.constant 0 : i32
      %dma_wait3A_48 = tpu.memref_slice %arg4[%add3A_35, %dma_wait3A_47] : memref<50176x128xf32, #tpu.memory_space<hbm>> -> memref<392x128xf32, #tpu.memory_space<hbm>>
      tpu.wait_dma2 semaphore(%run_scoped3A : memref<!tpu.dma_semaphore, #tpu.memory_space<semaphore_mem>>) src(%arg7 : memref<392x128xf32, #tpu.memory_space<vmem>>) dst(%dma_wait3A_48 : memref<392x128xf32, #tpu.memory_space<hbm>>)
      tpu.yield
    }) : () -> ()
    %dma_wait3A_36 = arith.constant 0 : i32
    %dma_wait3A_37 = arith.constant 0 : i32
    %dma_wait3A_38 = tpu.memref_slice %arg2[%dma_wait3A_36, %dma_wait3A_37] : memref<6912x128xf32, #tpu.memory_space<hbm>> -> memref<6912x128xf32, #tpu.memory_space<hbm>>
    tpu.wait_indirect_dma semaphore(%arg10 : memref<!tpu.dma_semaphore, #tpu.memory_space<semaphore_mem>>) src(%dma_wait3A_38 : memref<6912x128xf32, #tpu.memory_space<hbm>>) dst(%arg8 : memref<392x128xf32, #tpu.memory_space<vmem>>)
    %add3A_39 = arith.constant 1176 : i32
    %add3A_40 = arith.addi %mul3A_2, %add3A_39 : i32
    "tpu.region"() ({
      %run_scoped3A = tpu.sem_alloc : memref<!tpu.dma_semaphore, #tpu.memory_space<semaphore_mem>>
      %dma_start3A_41 = arith.constant 0 : i32
      %dma_start3A_42 = tpu.memref_slice %arg4[%add3A_40, %dma_start3A_41] : memref<50176x128xf32, #tpu.memory_space<hbm>> -> memref<392x128xf32, #tpu.memory_space<hbm>>
      %dma_start3A_43 = arith.constant 0 : i32
      %dma_start3A_44 = tpu.memref_slice %arg4[%add3A_40, %dma_start3A_43] : memref<50176x128xf32, #tpu.memory_space<hbm>> -> memref<392x128xf32, #tpu.memory_space<hbm>>
      tpu.enqueue_dma source(%arg8 : memref<392x128xf32, #tpu.memory_space<vmem>>) target(%dma_start3A_44 : memref<392x128xf32, #tpu.memory_space<hbm>>) target_semaphore(%run_scoped3A : memref<!tpu.dma_semaphore, #tpu.memory_space<semaphore_mem>>)
      %dma_wait3A_45 = arith.constant 0 : i32
      %dma_wait3A_46 = tpu.memref_slice %arg4[%add3A_40, %dma_wait3A_45] : memref<50176x128xf32, #tpu.memory_space<hbm>> -> memref<392x128xf32, #tpu.memory_space<hbm>>
      %dma_wait3A_47 = arith.constant 0 : i32
      %dma_wait3A_48 = tpu.memref_slice %arg4[%add3A_40, %dma_wait3A_47] : memref<50176x128xf32, #tpu.memory_space<hbm>> -> memref<392x128xf32, #tpu.memory_space<hbm>>
      tpu.wait_dma2 semaphore(%run_scoped3A : memref<!tpu.dma_semaphore, #tpu.memory_space<semaphore_mem>>) src(%arg8 : memref<392x128xf32, #tpu.memory_space<vmem>>) dst(%dma_wait3A_48 : memref<392x128xf32, #tpu.memory_space<hbm>>)
      tpu.yield
    }) : () -> ()
    return
  }
}

module attributes {stable_mosaic.version = 14 : i64} {
  func.func @_prep_body(%arg0: memref<6912x24xf32, #tpu.memory_space<vmem>>, %arg1: memref<24x128xf32, #tpu.memory_space<vmem>>, %arg2: memref<128x128xf32, #tpu.memory_space<vmem>>, %arg3: memref<4x7168xf32, #tpu.memory_space<vmem>>, %arg4: memref<6912x128xf32, #tpu.memory_space<vmem>>, %arg5: memref<8x7168xf32, #tpu.memory_space<vmem>>, %arg6: memref<1x7168xf32, #tpu.memory_space<vmem>>) attributes {dimension_semantics = [], scalar_prefetch = 0 : i64, scratch_operands = 0 : i64, tpu.core_type = #tpu.core_type<tc>} {
    %get3A = arith.constant 0 : index
    %get3A_0 = arith.constant 0 : index
    %get3A_1 = vector.load %arg0[%get3A, %get3A_0] : memref<6912x24xf32, #tpu.memory_space<vmem>>, vector<6912x24xf32>
    %get3A_2 = arith.constant 0 : index
    %get3A_3 = arith.constant 0 : index
    %get3A_4 = vector.load %arg1[%get3A_2, %get3A_3] : memref<24x128xf32, #tpu.memory_space<vmem>>, vector<24x128xf32>
    %dot_general3A = arith.constant dense<0.000000e+00> : vector<6912x128xf32>
    %dot_general3A_5 = tpu.matmul %get3A_1, %get3A_4, %dot_general3A {dimension_numbers = #tpu.dot_dimension_numbers<[1], [0], [0], [1], [0, 0, 1, 1], [], []>, transpose_lhs_hint = false} : vector<6912x24xf32>, vector<24x128xf32>, vector<6912x128xf32> -> vector<6912x128xf32>
    %get3A_6 = arith.constant 0 : index
    %get3A_7 = arith.constant 0 : index
    %get3A_8 = vector.load %arg2[%get3A_6, %get3A_7] : memref<128x128xf32, #tpu.memory_space<vmem>>, vector<128x128xf32>
    %dot_general3A_9 = arith.constant dense<0.000000e+00> : vector<6912x128xf32>
    %dot_general3A_10 = tpu.matmul %dot_general3A_5, %get3A_8, %dot_general3A_9 {dimension_numbers = #tpu.dot_dimension_numbers<[1], [0], [0], [1], [0, 0, 1, 1], [], []>, transpose_lhs_hint = false} : vector<6912x128xf32>, vector<128x128xf32>, vector<6912x128xf32> -> vector<6912x128xf32>
    %swap3A = arith.constant 0 : index
    %swap3A_11 = arith.constant 0 : index
    %swap3A_12 = vector.load %arg4[%swap3A, %swap3A_11] : memref<6912x128xf32, #tpu.memory_space<vmem>>, vector<6912x128xf32>
    tpu.vector_store %arg4[%swap3A, %swap3A_11], %dot_general3A_10 {strides = array<i32>} : memref<6912x128xf32, #tpu.memory_space<vmem>>, vector<6912x128xf32>,
    %get3A_13 = arith.constant 0 : index
    %get3A_14 = arith.constant 0 : index
    %get3A_15 = vector.load %arg3[%get3A_13, %get3A_14] : memref<4x7168xf32, #tpu.memory_space<vmem>>, vector<3x7168xf32>
    %get3A_16 = arith.constant 3 : index
    %get3A_17 = arith.constant 0 : index
    %get3A_18 = vector.load %arg3[%get3A_16, %get3A_17] : memref<4x7168xf32, #tpu.memory_space<vmem>>, vector<1x7168xf32>
    %mul3A = arith.mulf %get3A_15, %get3A_15 : vector<3x7168xf32>
    %reduce_sum3A = arith.constant dense<0.000000e+00> : vector<7168xf32>
    %reduce_sum3A_19 = vector.multi_reduction <add>, %mul3A, %reduce_sum3A [0] : vector<3x7168xf32> to vector<7168xf32>
    %broadcast_in_dim3A = vector.shape_cast %reduce_sum3A_19 : vector<7168xf32> to vector<1x7168xf32>
    %mul3A_20 = arith.constant 9.99999968E+37 : f32
    %mul3A_21 = vector.broadcast %mul3A_20 : f32 to vector<1x7168xf32>
    %mul3A_22 = arith.mulf %get3A_18, %mul3A_21 : vector<1x7168xf32>
    %add3A = arith.addf %broadcast_in_dim3A, %mul3A_22 : vector<1x7168xf32>
    %swap3A_23 = arith.constant 0 : index
    %swap3A_24 = arith.constant 0 : index
    %swap3A_25 = vector.load %arg6[%swap3A_23, %swap3A_24] : memref<1x7168xf32, #tpu.memory_space<vmem>>, vector<1x7168xf32>
    tpu.vector_store %arg6[%swap3A_23, %swap3A_24], %add3A {strides = array<i32>} : memref<1x7168xf32, #tpu.memory_space<vmem>>, vector<1x7168xf32>,
    %mul3A_26 = arith.constant -2.000000e+00 : f32
    %mul3A_27 = vector.broadcast %mul3A_26 : f32 to vector<3x7168xf32>
    %mul3A_28 = arith.mulf %mul3A_27, %get3A_15 : vector<3x7168xf32>
    %broadcast_in_dim3A_29 = arith.constant 0.000000e+00 : f32
    %broadcast_in_dim3A_30 = vector.broadcast %broadcast_in_dim3A_29 : f32 to vector<5x7168xf32>
    %concatenate3A = tpu.concatenate %mul3A_28, %broadcast_in_dim3A_30 in 0 : vector<3x7168xf32>, vector<5x7168xf32> -> vector<8x7168xf32>
    %swap3A_31 = arith.constant 0 : index
    %swap3A_32 = arith.constant 0 : index
    %swap3A_33 = vector.load %arg5[%swap3A_31, %swap3A_32] : memref<8x7168xf32, #tpu.memory_space<vmem>>, vector<8x7168xf32>
    tpu.vector_store %arg5[%swap3A_31, %swap3A_32], %concatenate3A {strides = array<i32>} : memref<8x7168xf32, #tpu.memory_space<vmem>>, vector<8x7168xf32>,
    return
  }
}

module attributes {stable_mosaic.version = 14 : i64} {
  func.func @_knn_body(%arg0: i32, %arg1: memref<1792x8xf32, #tpu.memory_space<vmem>>, %arg2: memref<8x7168xf32, #tpu.memory_space<vmem>>, %arg3: memref<1x7168xf32, #tpu.memory_space<vmem>>, %arg4: memref<1792x1xi32, #tpu.memory_space<vmem>>) attributes {dimension_semantics = [#tpu.dimension_semantics<parallel>], iteration_bounds = array<i64: 28>, scalar_prefetch = 0 : i64, scratch_operands = 0 : i64, tpu.core_type = #tpu.core_type<tc>, window_params = [{transform_indices = @transform_0, window_bounds = array<i64: 1792, 8>}, {pipeline_mode = #tpu.pipeline_mode<synchronous>, transform_indices = @transform_1, window_bounds = array<i64: 8, 7168>}, {pipeline_mode = #tpu.pipeline_mode<synchronous>, transform_indices = @transform_2, window_bounds = array<i64: 1, 7168>}, {transform_indices = @transform_3, window_bounds = array<i64: 1792, 1>}]} {
    %get3A = arith.constant 0 : index
    %get3A_0 = arith.constant 0 : index
    %get3A_1 = vector.load %arg1[%get3A, %get3A_0] : memref<1792x8xf32, #tpu.memory_space<vmem>>, vector<1792x8xf32>
    %iota3A = tpu.iota {dimensions = array<i32: 1>} : vector<1792x1024xi32>
    %convert_element_type3A = arith.sitofp %iota3A : vector<1792x1024xi32> to vector<1792x1024xf32>
    %broadcast_in_dim3A = arith.constant 3.000000e+38 : f32
    %broadcast_in_dim3A_2 = vector.broadcast %broadcast_in_dim3A : f32 to vector<1792x1xf32>
    %broadcast_in_dim3A_3 = arith.constant 0.000000e+00 : f32
    %broadcast_in_dim3A_4 = vector.broadcast %broadcast_in_dim3A_3 : f32 to vector<1792x1xf32>
    %get3A_5 = arith.constant 0 : index
    %get3A_6 = arith.constant 0 : index
    %get3A_7 = vector.load %arg2[%get3A_5, %get3A_6] : memref<8x7168xf32, #tpu.memory_space<vmem>>, vector<8x1024xf32>
    %dot_general3A = arith.constant dense<0.000000e+00> : vector<1792x1024xf32>
    %dot_general3A_8 = tpu.matmul %get3A_1, %get3A_7, %dot_general3A {dimension_numbers = #tpu.dot_dimension_numbers<[1], [0], [0], [1], [0, 0, 1, 1], [], []>, transpose_lhs_hint = false} : vector<1792x8xf32>, vector<8x1024xf32>, vector<1792x1024xf32> -> vector<1792x1024xf32>
    %get3A_9 = arith.constant 0 : index
    %get3A_10 = arith.constant 0 : index
    %get3A_11 = vector.load %arg3[%get3A_9, %get3A_10] : memref<1x7168xf32, #tpu.memory_space<vmem>>, vector<1x1024xf32>
    %add3A = vector.broadcast %get3A_11 : vector<1x1024xf32> to vector<1792x1024xf32>
    %add3A_12 = arith.addf %dot_general3A_8, %add3A : vector<1792x1024xf32>
    %reduce_min3A = arith.constant dense<0x7F800000> : vector<1792xf32>
    %reduce_min3A_13 = vector.multi_reduction <minimumf>, %add3A_12, %reduce_min3A [1] : vector<1792x1024xf32> to vector<1792xf32>
    %broadcast_in_dim3A_14 = vector.shape_cast %reduce_min3A_13 : vector<1792xf32> to vector<1792x1xf32>
    %le3A = vector.broadcast %broadcast_in_dim3A_14 : vector<1792x1xf32> to vector<1792x1024xf32>
    %le3A_15 = arith.cmpf ole, %add3A_12, %le3A : vector<1792x1024xf32>
    %jit3A = arith.constant 3.000000e+38 : f32
    %broadcast_in_dim3A_16 = vector.broadcast %jit3A : f32 to vector<1792x1024xf32>
    %select_n3A = arith.select %le3A_15, %convert_element_type3A, %broadcast_in_dim3A_16 : vector<1792x1024xi1>, vector<1792x1024xf32>
    %reduce_min3A_17 = arith.constant dense<0x7F800000> : vector<1792xf32>
    %reduce_min3A_18 = vector.multi_reduction <minimumf>, %select_n3A, %reduce_min3A_17 [1] : vector<1792x1024xf32> to vector<1792xf32>
    %broadcast_in_dim3A_19 = vector.shape_cast %reduce_min3A_18 : vector<1792xf32> to vector<1792x1xf32>
    %lt3A = arith.cmpf olt, %broadcast_in_dim3A_14, %broadcast_in_dim3A_2 : vector<1792x1xf32>
    %add3A_20 = arith.constant 0.000000e+00 : f32
    %add3A_21 = vector.broadcast %add3A_20 : f32 to vector<1792x1xf32>
    %add3A_22 = arith.addf %broadcast_in_dim3A_19, %add3A_21 : vector<1792x1xf32>
    %select_n3A_23 = arith.select %lt3A, %add3A_22, %broadcast_in_dim3A_4 : vector<1792x1xi1>, vector<1792x1xf32>
    %select_n3A_24 = arith.select %lt3A, %broadcast_in_dim3A_14, %broadcast_in_dim3A_2 : vector<1792x1xi1>, vector<1792x1xf32>
    %get3A_25 = arith.constant 0 : index
    %get3A_26 = arith.constant 1024 : index
    %get3A_27 = vector.load %arg2[%get3A_25, %get3A_26] : memref<8x7168xf32, #tpu.memory_space<vmem>>, vector<8x1024xf32>
    %dot_general3A_28 = arith.constant dense<0.000000e+00> : vector<1792x1024xf32>
    %dot_general3A_29 = tpu.matmul %get3A_1, %get3A_27, %dot_general3A_28 {dimension_numbers = #tpu.dot_dimension_numbers<[1], [0], [0], [1], [0, 0, 1, 1], [], []>, transpose_lhs_hint = false} : vector<1792x8xf32>, vector<8x1024xf32>, vector<1792x1024xf32> -> vector<1792x1024xf32>
    %get3A_30 = arith.constant 0 : index
    %get3A_31 = arith.constant 1024 : index
    %get3A_32 = vector.load %arg3[%get3A_30, %get3A_31] : memref<1x7168xf32, #tpu.memory_space<vmem>>, vector<1x1024xf32>
    %add3A_33 = vector.broadcast %get3A_32 : vector<1x1024xf32> to vector<1792x1024xf32>
    %add3A_34 = arith.addf %dot_general3A_29, %add3A_33 : vector<1792x1024xf32>
    %reduce_min3A_35 = arith.constant dense<0x7F800000> : vector<1792xf32>
    %reduce_min3A_36 = vector.multi_reduction <minimumf>, %add3A_34, %reduce_min3A_35 [1] : vector<1792x1024xf32> to vector<1792xf32>
    %broadcast_in_dim3A_37 = vector.shape_cast %reduce_min3A_36 : vector<1792xf32> to vector<1792x1xf32>
    %le3A_38 = vector.broadcast %broadcast_in_dim3A_37 : vector<1792x1xf32> to vector<1792x1024xf32>
    %le3A_39 = arith.cmpf ole, %add3A_34, %le3A_38 : vector<1792x1024xf32>
    %jit3A_40 = arith.constant 3.000000e+38 : f32
    %broadcast_in_dim3A_41 = vector.broadcast %jit3A_40 : f32 to vector<1792x1024xf32>
    %select_n3A_42 = arith.select %le3A_39, %convert_element_type3A, %broadcast_in_dim3A_41 : vector<1792x1024xi1>, vector<1792x1024xf32>
    %reduce_min3A_43 = arith.constant dense<0x7F800000> : vector<1792xf32>
    %reduce_min3A_44 = vector.multi_reduction <minimumf>, %select_n3A_42, %reduce_min3A_43 [1] : vector<1792x1024xf32> to vector<1792xf32>
    %broadcast_in_dim3A_45 = vector.shape_cast %reduce_min3A_44 : vector<1792xf32> to vector<1792x1xf32>
    %lt3A_46 = arith.cmpf olt, %broadcast_in_dim3A_37, %select_n3A_24 : vector<1792x1xf32>
    %add3A_47 = arith.constant 1.024000e+03 : f32
    %add3A_48 = vector.broadcast %add3A_47 : f32 to vector<1792x1xf32>
    %add3A_49 = arith.addf %broadcast_in_dim3A_45, %add3A_48 : vector<1792x1xf32>
    %select_n3A_50 = arith.select %lt3A_46, %add3A_49, %select_n3A_23 : vector<1792x1xi1>, vector<1792x1xf32>
    %select_n3A_51 = arith.select %lt3A_46, %broadcast_in_dim3A_37, %select_n3A_24 : vector<1792x1xi1>, vector<1792x1xf32>
    %get3A_52 = arith.constant 0 : index
    %get3A_53 = arith.constant 2048 : index
    %get3A_54 = vector.load %arg2[%get3A_52, %get3A_53] : memref<8x7168xf32, #tpu.memory_space<vmem>>, vector<8x1024xf32>
    %dot_general3A_55 = arith.constant dense<0.000000e+00> : vector<1792x1024xf32>
    %dot_general3A_56 = tpu.matmul %get3A_1, %get3A_54, %dot_general3A_55 {dimension_numbers = #tpu.dot_dimension_numbers<[1], [0], [0], [1], [0, 0, 1, 1], [], []>, transpose_lhs_hint = false} : vector<1792x8xf32>, vector<8x1024xf32>, vector<1792x1024xf32> -> vector<1792x1024xf32>
    %get3A_57 = arith.constant 0 : index
    %get3A_58 = arith.constant 2048 : index
    %get3A_59 = vector.load %arg3[%get3A_57, %get3A_58] : memref<1x7168xf32, #tpu.memory_space<vmem>>, vector<1x1024xf32>
    %add3A_60 = vector.broadcast %get3A_59 : vector<1x1024xf32> to vector<1792x1024xf32>
    %add3A_61 = arith.addf %dot_general3A_56, %add3A_60 : vector<1792x1024xf32>
    %reduce_min3A_62 = arith.constant dense<0x7F800000> : vector<1792xf32>
    %reduce_min3A_63 = vector.multi_reduction <minimumf>, %add3A_61, %reduce_min3A_62 [1] : vector<1792x1024xf32> to vector<1792xf32>
    %broadcast_in_dim3A_64 = vector.shape_cast %reduce_min3A_63 : vector<1792xf32> to vector<1792x1xf32>
    %le3A_65 = vector.broadcast %broadcast_in_dim3A_64 : vector<1792x1xf32> to vector<1792x1024xf32>
    %le3A_66 = arith.cmpf ole, %add3A_61, %le3A_65 : vector<1792x1024xf32>
    %jit3A_67 = arith.constant 3.000000e+38 : f32
    %broadcast_in_dim3A_68 = vector.broadcast %jit3A_67 : f32 to vector<1792x1024xf32>
    %select_n3A_69 = arith.select %le3A_66, %convert_element_type3A, %broadcast_in_dim3A_68 : vector<1792x1024xi1>, vector<1792x1024xf32>
    %reduce_min3A_70 = arith.constant dense<0x7F800000> : vector<1792xf32>
    %reduce_min3A_71 = vector.multi_reduction <minimumf>, %select_n3A_69, %reduce_min3A_70 [1] : vector<1792x1024xf32> to vector<1792xf32>
    %broadcast_in_dim3A_72 = vector.shape_cast %reduce_min3A_71 : vector<1792xf32> to vector<1792x1xf32>
    %lt3A_73 = arith.cmpf olt, %broadcast_in_dim3A_64, %select_n3A_51 : vector<1792x1xf32>
    %add3A_74 = arith.constant 2.048000e+03 : f32
    %add3A_75 = vector.broadcast %add3A_74 : f32 to vector<1792x1xf32>
    %add3A_76 = arith.addf %broadcast_in_dim3A_72, %add3A_75 : vector<1792x1xf32>
    %select_n3A_77 = arith.select %lt3A_73, %add3A_76, %select_n3A_50 : vector<1792x1xi1>, vector<1792x1xf32>
    %select_n3A_78 = arith.select %lt3A_73, %broadcast_in_dim3A_64, %select_n3A_51 : vector<1792x1xi1>, vector<1792x1xf32>
    %get3A_79 = arith.constant 0 : index
    %get3A_80 = arith.constant 3072 : index
    %get3A_81 = vector.load %arg2[%get3A_79, %get3A_80] : memref<8x7168xf32, #tpu.memory_space<vmem>>, vector<8x1024xf32>
    %dot_general3A_82 = arith.constant dense<0.000000e+00> : vector<1792x1024xf32>
    %dot_general3A_83 = tpu.matmul %get3A_1, %get3A_81, %dot_general3A_82 {dimension_numbers = #tpu.dot_dimension_numbers<[1], [0], [0], [1], [0, 0, 1, 1], [], []>, transpose_lhs_hint = false} : vector<1792x8xf32>, vector<8x1024xf32>, vector<1792x1024xf32> -> vector<1792x1024xf32>
    %get3A_84 = arith.constant 0 : index
    %get3A_85 = arith.constant 3072 : index
    %get3A_86 = vector.load %arg3[%get3A_84, %get3A_85] : memref<1x7168xf32, #tpu.memory_space<vmem>>, vector<1x1024xf32>
    %add3A_87 = vector.broadcast %get3A_86 : vector<1x1024xf32> to vector<1792x1024xf32>
    %add3A_88 = arith.addf %dot_general3A_83, %add3A_87 : vector<1792x1024xf32>
    %reduce_min3A_89 = arith.constant dense<0x7F800000> : vector<1792xf32>
    %reduce_min3A_90 = vector.multi_reduction <minimumf>, %add3A_88, %reduce_min3A_89 [1] : vector<1792x1024xf32> to vector<1792xf32>
    %broadcast_in_dim3A_91 = vector.shape_cast %reduce_min3A_90 : vector<1792xf32> to vector<1792x1xf32>
    %le3A_92 = vector.broadcast %broadcast_in_dim3A_91 : vector<1792x1xf32> to vector<1792x1024xf32>
    %le3A_93 = arith.cmpf ole, %add3A_88, %le3A_92 : vector<1792x1024xf32>
    %jit3A_94 = arith.constant 3.000000e+38 : f32
    %broadcast_in_dim3A_95 = vector.broadcast %jit3A_94 : f32 to vector<1792x1024xf32>
    %select_n3A_96 = arith.select %le3A_93, %convert_element_type3A, %broadcast_in_dim3A_95 : vector<1792x1024xi1>, vector<1792x1024xf32>
    %reduce_min3A_97 = arith.constant dense<0x7F800000> : vector<1792xf32>
    %reduce_min3A_98 = vector.multi_reduction <minimumf>, %select_n3A_96, %reduce_min3A_97 [1] : vector<1792x1024xf32> to vector<1792xf32>
    %broadcast_in_dim3A_99 = vector.shape_cast %reduce_min3A_98 : vector<1792xf32> to vector<1792x1xf32>
    %lt3A_100 = arith.cmpf olt, %broadcast_in_dim3A_91, %select_n3A_78 : vector<1792x1xf32>
    %add3A_101 = arith.constant 3.072000e+03 : f32
    %add3A_102 = vector.broadcast %add3A_101 : f32 to vector<1792x1xf32>
    %add3A_103 = arith.addf %broadcast_in_dim3A_99, %add3A_102 : vector<1792x1xf32>
    %select_n3A_104 = arith.select %lt3A_100, %add3A_103, %select_n3A_77 : vector<1792x1xi1>, vector<1792x1xf32>
    %select_n3A_105 = arith.select %lt3A_100, %broadcast_in_dim3A_91, %select_n3A_78 : vector<1792x1xi1>, vector<1792x1xf32>
    %get3A_106 = arith.constant 0 : index
    %get3A_107 = arith.constant 4096 : index
    %get3A_108 = vector.load %arg2[%get3A_106, %get3A_107] : memref<8x7168xf32, #tpu.memory_space<vmem>>, vector<8x1024xf32>
    %dot_general3A_109 = arith.constant dense<0.000000e+00> : vector<1792x1024xf32>
    %dot_general3A_110 = tpu.matmul %get3A_1, %get3A_108, %dot_general3A_109 {dimension_numbers = #tpu.dot_dimension_numbers<[1], [0], [0], [1], [0, 0, 1, 1], [], []>, transpose_lhs_hint = false} : vector<1792x8xf32>, vector<8x1024xf32>, vector<1792x1024xf32> -> vector<1792x1024xf32>
    %get3A_111 = arith.constant 0 : index
    %get3A_112 = arith.constant 4096 : index
    %get3A_113 = vector.load %arg3[%get3A_111, %get3A_112] : memref<1x7168xf32, #tpu.memory_space<vmem>>, vector<1x1024xf32>
    %add3A_114 = vector.broadcast %get3A_113 : vector<1x1024xf32> to vector<1792x1024xf32>
    %add3A_115 = arith.addf %dot_general3A_110, %add3A_114 : vector<1792x1024xf32>
    %reduce_min3A_116 = arith.constant dense<0x7F800000> : vector<1792xf32>
    %reduce_min3A_117 = vector.multi_reduction <minimumf>, %add3A_115, %reduce_min3A_116 [1] : vector<1792x1024xf32> to vector<1792xf32>
    %broadcast_in_dim3A_118 = vector.shape_cast %reduce_min3A_117 : vector<1792xf32> to vector<1792x1xf32>
    %le3A_119 = vector.broadcast %broadcast_in_dim3A_118 : vector<1792x1xf32> to vector<1792x1024xf32>
    %le3A_120 = arith.cmpf ole, %add3A_115, %le3A_119 : vector<1792x1024xf32>
    %jit3A_121 = arith.constant 3.000000e+38 : f32
    %broadcast_in_dim3A_122 = vector.broadcast %jit3A_121 : f32 to vector<1792x1024xf32>
    %select_n3A_123 = arith.select %le3A_120, %convert_element_type3A, %broadcast_in_dim3A_122 : vector<1792x1024xi1>, vector<1792x1024xf32>
    %reduce_min3A_124 = arith.constant dense<0x7F800000> : vector<1792xf32>
    %reduce_min3A_125 = vector.multi_reduction <minimumf>, %select_n3A_123, %reduce_min3A_124 [1] : vector<1792x1024xf32> to vector<1792xf32>
    %broadcast_in_dim3A_126 = vector.shape_cast %reduce_min3A_125 : vector<1792xf32> to vector<1792x1xf32>
    %lt3A_127 = arith.cmpf olt, %broadcast_in_dim3A_118, %select_n3A_105 : vector<1792x1xf32>
    %add3A_128 = arith.constant 4.096000e+03 : f32
    %add3A_129 = vector.broadcast %add3A_128 : f32 to vector<1792x1xf32>
    %add3A_130 = arith.addf %broadcast_in_dim3A_126, %add3A_129 : vector<1792x1xf32>
    %select_n3A_131 = arith.select %lt3A_127, %add3A_130, %select_n3A_104 : vector<1792x1xi1>, vector<1792x1xf32>
    %select_n3A_132 = arith.select %lt3A_127, %broadcast_in_dim3A_118, %select_n3A_105 : vector<1792x1xi1>, vector<1792x1xf32>
    %get3A_133 = arith.constant 0 : index
    %get3A_134 = arith.constant 5120 : index
    %get3A_135 = vector.load %arg2[%get3A_133, %get3A_134] : memref<8x7168xf32, #tpu.memory_space<vmem>>, vector<8x1024xf32>
    %dot_general3A_136 = arith.constant dense<0.000000e+00> : vector<1792x1024xf32>
    %dot_general3A_137 = tpu.matmul %get3A_1, %get3A_135, %dot_general3A_136 {dimension_numbers = #tpu.dot_dimension_numbers<[1], [0], [0], [1], [0, 0, 1, 1], [], []>, transpose_lhs_hint = false} : vector<1792x8xf32>, vector<8x1024xf32>, vector<1792x1024xf32> -> vector<1792x1024xf32>
    %get3A_138 = arith.constant 0 : index
    %get3A_139 = arith.constant 5120 : index
    %get3A_140 = vector.load %arg3[%get3A_138, %get3A_139] : memref<1x7168xf32, #tpu.memory_space<vmem>>, vector<1x1024xf32>
    %add3A_141 = vector.broadcast %get3A_140 : vector<1x1024xf32> to vector<1792x1024xf32>
    %add3A_142 = arith.addf %dot_general3A_137, %add3A_141 : vector<1792x1024xf32>
    %reduce_min3A_143 = arith.constant dense<0x7F800000> : vector<1792xf32>
    %reduce_min3A_144 = vector.multi_reduction <minimumf>, %add3A_142, %reduce_min3A_143 [1] : vector<1792x1024xf32> to vector<1792xf32>
    %broadcast_in_dim3A_145 = vector.shape_cast %reduce_min3A_144 : vector<1792xf32> to vector<1792x1xf32>
    %le3A_146 = vector.broadcast %broadcast_in_dim3A_145 : vector<1792x1xf32> to vector<1792x1024xf32>
    %le3A_147 = arith.cmpf ole, %add3A_142, %le3A_146 : vector<1792x1024xf32>
    %jit3A_148 = arith.constant 3.000000e+38 : f32
    %broadcast_in_dim3A_149 = vector.broadcast %jit3A_148 : f32 to vector<1792x1024xf32>
    %select_n3A_150 = arith.select %le3A_147, %convert_element_type3A, %broadcast_in_dim3A_149 : vector<1792x1024xi1>, vector<1792x1024xf32>
    %reduce_min3A_151 = arith.constant dense<0x7F800000> : vector<1792xf32>
    %reduce_min3A_152 = vector.multi_reduction <minimumf>, %select_n3A_150, %reduce_min3A_151 [1] : vector<1792x1024xf32> to vector<1792xf32>
    %broadcast_in_dim3A_153 = vector.shape_cast %reduce_min3A_152 : vector<1792xf32> to vector<1792x1xf32>
    %lt3A_154 = arith.cmpf olt, %broadcast_in_dim3A_145, %select_n3A_132 : vector<1792x1xf32>
    %add3A_155 = arith.constant 5.120000e+03 : f32
    %add3A_156 = vector.broadcast %add3A_155 : f32 to vector<1792x1xf32>
    %add3A_157 = arith.addf %broadcast_in_dim3A_153, %add3A_156 : vector<1792x1xf32>
    %select_n3A_158 = arith.select %lt3A_154, %add3A_157, %select_n3A_131 : vector<1792x1xi1>, vector<1792x1xf32>
    %select_n3A_159 = arith.select %lt3A_154, %broadcast_in_dim3A_145, %select_n3A_132 : vector<1792x1xi1>, vector<1792x1xf32>
    %get3A_160 = arith.constant 0 : index
    %get3A_161 = arith.constant 6144 : index
    %get3A_162 = vector.load %arg2[%get3A_160, %get3A_161] : memref<8x7168xf32, #tpu.memory_space<vmem>>, vector<8x1024xf32>
    %dot_general3A_163 = arith.constant dense<0.000000e+00> : vector<1792x1024xf32>
    %dot_general3A_164 = tpu.matmul %get3A_1, %get3A_162, %dot_general3A_163 {dimension_numbers = #tpu.dot_dimension_numbers<[1], [0], [0], [1], [0, 0, 1, 1], [], []>, transpose_lhs_hint = false} : vector<1792x8xf32>, vector<8x1024xf32>, vector<1792x1024xf32> -> vector<1792x1024xf32>
    %get3A_165 = arith.constant 0 : index
    %get3A_166 = arith.constant 6144 : index
    %get3A_167 = vector.load %arg3[%get3A_165, %get3A_166] : memref<1x7168xf32, #tpu.memory_space<vmem>>, vector<1x1024xf32>
    %add3A_168 = vector.broadcast %get3A_167 : vector<1x1024xf32> to vector<1792x1024xf32>
    %add3A_169 = arith.addf %dot_general3A_164, %add3A_168 : vector<1792x1024xf32>
    %reduce_min3A_170 = arith.constant dense<0x7F800000> : vector<1792xf32>
    %reduce_min3A_171 = vector.multi_reduction <minimumf>, %add3A_169, %reduce_min3A_170 [1] : vector<1792x1024xf32> to vector<1792xf32>
    %broadcast_in_dim3A_172 = vector.shape_cast %reduce_min3A_171 : vector<1792xf32> to vector<1792x1xf32>
    %le3A_173 = vector.broadcast %broadcast_in_dim3A_172 : vector<1792x1xf32> to vector<1792x1024xf32>
    %le3A_174 = arith.cmpf ole, %add3A_169, %le3A_173 : vector<1792x1024xf32>
    %jit3A_175 = arith.constant 3.000000e+38 : f32
    %broadcast_in_dim3A_176 = vector.broadcast %jit3A_175 : f32 to vector<1792x1024xf32>
    %select_n3A_177 = arith.select %le3A_174, %convert_element_type3A, %broadcast_in_dim3A_176 : vector<1792x1024xi1>, vector<1792x1024xf32>
    %reduce_min3A_178 = arith.constant dense<0x7F800000> : vector<1792xf32>
    %reduce_min3A_179 = vector.multi_reduction <minimumf>, %select_n3A_177, %reduce_min3A_178 [1] : vector<1792x1024xf32> to vector<1792xf32>
    %broadcast_in_dim3A_180 = vector.shape_cast %reduce_min3A_179 : vector<1792xf32> to vector<1792x1xf32>
    %lt3A_181 = arith.cmpf olt, %broadcast_in_dim3A_172, %select_n3A_159 : vector<1792x1xf32>
    %add3A_182 = arith.constant 6.144000e+03 : f32
    %add3A_183 = vector.broadcast %add3A_182 : f32 to vector<1792x1xf32>
    %add3A_184 = arith.addf %broadcast_in_dim3A_180, %add3A_183 : vector<1792x1xf32>
    %select_n3A_185 = arith.select %lt3A_181, %add3A_184, %select_n3A_158 : vector<1792x1xi1>, vector<1792x1xf32>
    %convert_element_type3A_186 = arith.fptosi %select_n3A_185 : vector<1792x1xf32> to vector<1792x1xi32>
    %swap3A = arith.constant 0 : index
    %swap3A_187 = arith.constant 0 : index
    %swap3A_188 = vector.load %arg4[%swap3A, %swap3A_187] : memref<1792x1xi32, #tpu.memory_space<vmem>>, vector<1792x1xi32>
    tpu.vector_store %arg4[%swap3A, %swap3A_187], %convert_element_type3A_186 {strides = array<i32>} : memref<1792x1xi32, #tpu.memory_space<vmem>>, vector<1792x1xi32>,
    return
  }
  func.func @transform_0(%arg0: i32) -> (i32, i32) {
    %add3A = arith.constant 28 : i32
    %add3A_0 = arith.addi %arg0, %add3A : i32
    %c0_i32 = arith.constant 0 : i32
    %c0_i32_1 = arith.constant 0 : i32
    return %add3A_0, %c0_i32 : i32, i32
  }
  func.func @transform_1(%arg0: i32) -> (i32, i32) {
    %c0_i32 = arith.constant 0 : i32
    %c0_i32_0 = arith.constant 0 : i32
    %c0_i32_1 = arith.constant 0 : i32
    return %c0_i32, %c0_i32_0 : i32, i32
  }
  func.func @transform_2(%arg0: i32) -> (i32, i32) {
    %c0_i32 = arith.constant 0 : i32
    %c0_i32_0 = arith.constant 0 : i32
    %c0_i32_1 = arith.constant 0 : i32
    return %c0_i32, %c0_i32_0 : i32, i32
  }
  func.func @transform_3(%arg0: i32) -> (i32, i32) {
    %c0_i32 = arith.constant 0 : i32
    %c0_i32_0 = arith.constant 0 : i32
    return %arg0, %c0_i32 : i32, i32
  }
}

module attributes {stable_mosaic.version = 14 : i64} {
  func.func @_knn_body(%arg0: i32, %arg1: memref<1792x8xf32, #tpu.memory_space<vmem>>, %arg2: memref<8x7168xf32, #tpu.memory_space<vmem>>, %arg3: memref<1x7168xf32, #tpu.memory_space<vmem>>, %arg4: memref<1792x1xi32, #tpu.memory_space<vmem>>) attributes {dimension_semantics = [#tpu.dimension_semantics<parallel>], iteration_bounds = array<i64: 28>, scalar_prefetch = 0 : i64, scratch_operands = 0 : i64, tpu.core_type = #tpu.core_type<tc>, window_params = [{transform_indices = @transform_0, window_bounds = array<i64: 1792, 8>}, {pipeline_mode = #tpu.pipeline_mode<synchronous>, transform_indices = @transform_1, window_bounds = array<i64: 8, 7168>}, {pipeline_mode = #tpu.pipeline_mode<synchronous>, transform_indices = @transform_2, window_bounds = array<i64: 1, 7168>}, {transform_indices = @transform_3, window_bounds = array<i64: 1792, 1>}]} {
    %get3A = arith.constant 0 : index
    %get3A_0 = arith.constant 0 : index
    %get3A_1 = vector.load %arg1[%get3A, %get3A_0] : memref<1792x8xf32, #tpu.memory_space<vmem>>, vector<1792x8xf32>
    %iota3A = tpu.iota {dimensions = array<i32: 1>} : vector<1792x1024xi32>
    %convert_element_type3A = arith.sitofp %iota3A : vector<1792x1024xi32> to vector<1792x1024xf32>
    %broadcast_in_dim3A = arith.constant 3.000000e+38 : f32
    %broadcast_in_dim3A_2 = vector.broadcast %broadcast_in_dim3A : f32 to vector<1792x1xf32>
    %broadcast_in_dim3A_3 = arith.constant 0.000000e+00 : f32
    %broadcast_in_dim3A_4 = vector.broadcast %broadcast_in_dim3A_3 : f32 to vector<1792x1xf32>
    %get3A_5 = arith.constant 0 : index
    %get3A_6 = arith.constant 0 : index
    %get3A_7 = vector.load %arg2[%get3A_5, %get3A_6] : memref<8x7168xf32, #tpu.memory_space<vmem>>, vector<8x1024xf32>
    %dot_general3A = arith.constant dense<0.000000e+00> : vector<1792x1024xf32>
    %dot_general3A_8 = tpu.matmul %get3A_1, %get3A_7, %dot_general3A {dimension_numbers = #tpu.dot_dimension_numbers<[1], [0], [0], [1], [0, 0, 1, 1], [], []>, transpose_lhs_hint = false} : vector<1792x8xf32>, vector<8x1024xf32>, vector<1792x1024xf32> -> vector<1792x1024xf32>
    %get3A_9 = arith.constant 0 : index
    %get3A_10 = arith.constant 0 : index
    %get3A_11 = vector.load %arg3[%get3A_9, %get3A_10] : memref<1x7168xf32, #tpu.memory_space<vmem>>, vector<1x1024xf32>
    %add3A = vector.broadcast %get3A_11 : vector<1x1024xf32> to vector<1792x1024xf32>
    %add3A_12 = arith.addf %dot_general3A_8, %add3A : vector<1792x1024xf32>
    %reduce_min3A = arith.constant dense<0x7F800000> : vector<1792xf32>
    %reduce_min3A_13 = vector.multi_reduction <minimumf>, %add3A_12, %reduce_min3A [1] : vector<1792x1024xf32> to vector<1792xf32>
    %broadcast_in_dim3A_14 = vector.shape_cast %reduce_min3A_13 : vector<1792xf32> to vector<1792x1xf32>
    %le3A = vector.broadcast %broadcast_in_dim3A_14 : vector<1792x1xf32> to vector<1792x1024xf32>
    %le3A_15 = arith.cmpf ole, %add3A_12, %le3A : vector<1792x1024xf32>
    %jit3A = arith.constant 3.000000e+38 : f32
    %broadcast_in_dim3A_16 = vector.broadcast %jit3A : f32 to vector<1792x1024xf32>
    %select_n3A = arith.select %le3A_15, %convert_element_type3A, %broadcast_in_dim3A_16 : vector<1792x1024xi1>, vector<1792x1024xf32>
    %reduce_min3A_17 = arith.constant dense<0x7F800000> : vector<1792xf32>
    %reduce_min3A_18 = vector.multi_reduction <minimumf>, %select_n3A, %reduce_min3A_17 [1] : vector<1792x1024xf32> to vector<1792xf32>
    %broadcast_in_dim3A_19 = vector.shape_cast %reduce_min3A_18 : vector<1792xf32> to vector<1792x1xf32>
    %lt3A = arith.cmpf olt, %broadcast_in_dim3A_14, %broadcast_in_dim3A_2 : vector<1792x1xf32>
    %add3A_20 = arith.constant 0.000000e+00 : f32
    %add3A_21 = vector.broadcast %add3A_20 : f32 to vector<1792x1xf32>
    %add3A_22 = arith.addf %broadcast_in_dim3A_19, %add3A_21 : vector<1792x1xf32>
    %select_n3A_23 = arith.select %lt3A, %add3A_22, %broadcast_in_dim3A_4 : vector<1792x1xi1>, vector<1792x1xf32>
    %select_n3A_24 = arith.select %lt3A, %broadcast_in_dim3A_14, %broadcast_in_dim3A_2 : vector<1792x1xi1>, vector<1792x1xf32>
    %get3A_25 = arith.constant 0 : index
    %get3A_26 = arith.constant 1024 : index
    %get3A_27 = vector.load %arg2[%get3A_25, %get3A_26] : memref<8x7168xf32, #tpu.memory_space<vmem>>, vector<8x1024xf32>
    %dot_general3A_28 = arith.constant dense<0.000000e+00> : vector<1792x1024xf32>
    %dot_general3A_29 = tpu.matmul %get3A_1, %get3A_27, %dot_general3A_28 {dimension_numbers = #tpu.dot_dimension_numbers<[1], [0], [0], [1], [0, 0, 1, 1], [], []>, transpose_lhs_hint = false} : vector<1792x8xf32>, vector<8x1024xf32>, vector<1792x1024xf32> -> vector<1792x1024xf32>
    %get3A_30 = arith.constant 0 : index
    %get3A_31 = arith.constant 1024 : index
    %get3A_32 = vector.load %arg3[%get3A_30, %get3A_31] : memref<1x7168xf32, #tpu.memory_space<vmem>>, vector<1x1024xf32>
    %add3A_33 = vector.broadcast %get3A_32 : vector<1x1024xf32> to vector<1792x1024xf32>
    %add3A_34 = arith.addf %dot_general3A_29, %add3A_33 : vector<1792x1024xf32>
    %reduce_min3A_35 = arith.constant dense<0x7F800000> : vector<1792xf32>
    %reduce_min3A_36 = vector.multi_reduction <minimumf>, %add3A_34, %reduce_min3A_35 [1] : vector<1792x1024xf32> to vector<1792xf32>
    %broadcast_in_dim3A_37 = vector.shape_cast %reduce_min3A_36 : vector<1792xf32> to vector<1792x1xf32>
    %le3A_38 = vector.broadcast %broadcast_in_dim3A_37 : vector<1792x1xf32> to vector<1792x1024xf32>
    %le3A_39 = arith.cmpf ole, %add3A_34, %le3A_38 : vector<1792x1024xf32>
    %jit3A_40 = arith.constant 3.000000e+38 : f32
    %broadcast_in_dim3A_41 = vector.broadcast %jit3A_40 : f32 to vector<1792x1024xf32>
    %select_n3A_42 = arith.select %le3A_39, %convert_element_type3A, %broadcast_in_dim3A_41 : vector<1792x1024xi1>, vector<1792x1024xf32>
    %reduce_min3A_43 = arith.constant dense<0x7F800000> : vector<1792xf32>
    %reduce_min3A_44 = vector.multi_reduction <minimumf>, %select_n3A_42, %reduce_min3A_43 [1] : vector<1792x1024xf32> to vector<1792xf32>
    %broadcast_in_dim3A_45 = vector.shape_cast %reduce_min3A_44 : vector<1792xf32> to vector<1792x1xf32>
    %lt3A_46 = arith.cmpf olt, %broadcast_in_dim3A_37, %select_n3A_24 : vector<1792x1xf32>
    %add3A_47 = arith.constant 1.024000e+03 : f32
    %add3A_48 = vector.broadcast %add3A_47 : f32 to vector<1792x1xf32>
    %add3A_49 = arith.addf %broadcast_in_dim3A_45, %add3A_48 : vector<1792x1xf32>
    %select_n3A_50 = arith.select %lt3A_46, %add3A_49, %select_n3A_23 : vector<1792x1xi1>, vector<1792x1xf32>
    %select_n3A_51 = arith.select %lt3A_46, %broadcast_in_dim3A_37, %select_n3A_24 : vector<1792x1xi1>, vector<1792x1xf32>
    %get3A_52 = arith.constant 0 : index
    %get3A_53 = arith.constant 2048 : index
    %get3A_54 = vector.load %arg2[%get3A_52, %get3A_53] : memref<8x7168xf32, #tpu.memory_space<vmem>>, vector<8x1024xf32>
    %dot_general3A_55 = arith.constant dense<0.000000e+00> : vector<1792x1024xf32>
    %dot_general3A_56 = tpu.matmul %get3A_1, %get3A_54, %dot_general3A_55 {dimension_numbers = #tpu.dot_dimension_numbers<[1], [0], [0], [1], [0, 0, 1, 1], [], []>, transpose_lhs_hint = false} : vector<1792x8xf32>, vector<8x1024xf32>, vector<1792x1024xf32> -> vector<1792x1024xf32>
    %get3A_57 = arith.constant 0 : index
    %get3A_58 = arith.constant 2048 : index
    %get3A_59 = vector.load %arg3[%get3A_57, %get3A_58] : memref<1x7168xf32, #tpu.memory_space<vmem>>, vector<1x1024xf32>
    %add3A_60 = vector.broadcast %get3A_59 : vector<1x1024xf32> to vector<1792x1024xf32>
    %add3A_61 = arith.addf %dot_general3A_56, %add3A_60 : vector<1792x1024xf32>
    %reduce_min3A_62 = arith.constant dense<0x7F800000> : vector<1792xf32>
    %reduce_min3A_63 = vector.multi_reduction <minimumf>, %add3A_61, %reduce_min3A_62 [1] : vector<1792x1024xf32> to vector<1792xf32>
    %broadcast_in_dim3A_64 = vector.shape_cast %reduce_min3A_63 : vector<1792xf32> to vector<1792x1xf32>
    %le3A_65 = vector.broadcast %broadcast_in_dim3A_64 : vector<1792x1xf32> to vector<1792x1024xf32>
    %le3A_66 = arith.cmpf ole, %add3A_61, %le3A_65 : vector<1792x1024xf32>
    %jit3A_67 = arith.constant 3.000000e+38 : f32
    %broadcast_in_dim3A_68 = vector.broadcast %jit3A_67 : f32 to vector<1792x1024xf32>
    %select_n3A_69 = arith.select %le3A_66, %convert_element_type3A, %broadcast_in_dim3A_68 : vector<1792x1024xi1>, vector<1792x1024xf32>
    %reduce_min3A_70 = arith.constant dense<0x7F800000> : vector<1792xf32>
    %reduce_min3A_71 = vector.multi_reduction <minimumf>, %select_n3A_69, %reduce_min3A_70 [1] : vector<1792x1024xf32> to vector<1792xf32>
    %broadcast_in_dim3A_72 = vector.shape_cast %reduce_min3A_71 : vector<1792xf32> to vector<1792x1xf32>
    %lt3A_73 = arith.cmpf olt, %broadcast_in_dim3A_64, %select_n3A_51 : vector<1792x1xf32>
    %add3A_74 = arith.constant 2.048000e+03 : f32
    %add3A_75 = vector.broadcast %add3A_74 : f32 to vector<1792x1xf32>
    %add3A_76 = arith.addf %broadcast_in_dim3A_72, %add3A_75 : vector<1792x1xf32>
    %select_n3A_77 = arith.select %lt3A_73, %add3A_76, %select_n3A_50 : vector<1792x1xi1>, vector<1792x1xf32>
    %select_n3A_78 = arith.select %lt3A_73, %broadcast_in_dim3A_64, %select_n3A_51 : vector<1792x1xi1>, vector<1792x1xf32>
    %get3A_79 = arith.constant 0 : index
    %get3A_80 = arith.constant 3072 : index
    %get3A_81 = vector.load %arg2[%get3A_79, %get3A_80] : memref<8x7168xf32, #tpu.memory_space<vmem>>, vector<8x1024xf32>
    %dot_general3A_82 = arith.constant dense<0.000000e+00> : vector<1792x1024xf32>
    %dot_general3A_83 = tpu.matmul %get3A_1, %get3A_81, %dot_general3A_82 {dimension_numbers = #tpu.dot_dimension_numbers<[1], [0], [0], [1], [0, 0, 1, 1], [], []>, transpose_lhs_hint = false} : vector<1792x8xf32>, vector<8x1024xf32>, vector<1792x1024xf32> -> vector<1792x1024xf32>
    %get3A_84 = arith.constant 0 : index
    %get3A_85 = arith.constant 3072 : index
    %get3A_86 = vector.load %arg3[%get3A_84, %get3A_85] : memref<1x7168xf32, #tpu.memory_space<vmem>>, vector<1x1024xf32>
    %add3A_87 = vector.broadcast %get3A_86 : vector<1x1024xf32> to vector<1792x1024xf32>
    %add3A_88 = arith.addf %dot_general3A_83, %add3A_87 : vector<1792x1024xf32>
    %reduce_min3A_89 = arith.constant dense<0x7F800000> : vector<1792xf32>
    %reduce_min3A_90 = vector.multi_reduction <minimumf>, %add3A_88, %reduce_min3A_89 [1] : vector<1792x1024xf32> to vector<1792xf32>
    %broadcast_in_dim3A_91 = vector.shape_cast %reduce_min3A_90 : vector<1792xf32> to vector<1792x1xf32>
    %le3A_92 = vector.broadcast %broadcast_in_dim3A_91 : vector<1792x1xf32> to vector<1792x1024xf32>
    %le3A_93 = arith.cmpf ole, %add3A_88, %le3A_92 : vector<1792x1024xf32>
    %jit3A_94 = arith.constant 3.000000e+38 : f32
    %broadcast_in_dim3A_95 = vector.broadcast %jit3A_94 : f32 to vector<1792x1024xf32>
    %select_n3A_96 = arith.select %le3A_93, %convert_element_type3A, %broadcast_in_dim3A_95 : vector<1792x1024xi1>, vector<1792x1024xf32>
    %reduce_min3A_97 = arith.constant dense<0x7F800000> : vector<1792xf32>
    %reduce_min3A_98 = vector.multi_reduction <minimumf>, %select_n3A_96, %reduce_min3A_97 [1] : vector<1792x1024xf32> to vector<1792xf32>
    %broadcast_in_dim3A_99 = vector.shape_cast %reduce_min3A_98 : vector<1792xf32> to vector<1792x1xf32>
    %lt3A_100 = arith.cmpf olt, %broadcast_in_dim3A_91, %select_n3A_78 : vector<1792x1xf32>
    %add3A_101 = arith.constant 3.072000e+03 : f32
    %add3A_102 = vector.broadcast %add3A_101 : f32 to vector<1792x1xf32>
    %add3A_103 = arith.addf %broadcast_in_dim3A_99, %add3A_102 : vector<1792x1xf32>
    %select_n3A_104 = arith.select %lt3A_100, %add3A_103, %select_n3A_77 : vector<1792x1xi1>, vector<1792x1xf32>
    %select_n3A_105 = arith.select %lt3A_100, %broadcast_in_dim3A_91, %select_n3A_78 : vector<1792x1xi1>, vector<1792x1xf32>
    %get3A_106 = arith.constant 0 : index
    %get3A_107 = arith.constant 4096 : index
    %get3A_108 = vector.load %arg2[%get3A_106, %get3A_107] : memref<8x7168xf32, #tpu.memory_space<vmem>>, vector<8x1024xf32>
    %dot_general3A_109 = arith.constant dense<0.000000e+00> : vector<1792x1024xf32>
    %dot_general3A_110 = tpu.matmul %get3A_1, %get3A_108, %dot_general3A_109 {dimension_numbers = #tpu.dot_dimension_numbers<[1], [0], [0], [1], [0, 0, 1, 1], [], []>, transpose_lhs_hint = false} : vector<1792x8xf32>, vector<8x1024xf32>, vector<1792x1024xf32> -> vector<1792x1024xf32>
    %get3A_111 = arith.constant 0 : index
    %get3A_112 = arith.constant 4096 : index
    %get3A_113 = vector.load %arg3[%get3A_111, %get3A_112] : memref<1x7168xf32, #tpu.memory_space<vmem>>, vector<1x1024xf32>
    %add3A_114 = vector.broadcast %get3A_113 : vector<1x1024xf32> to vector<1792x1024xf32>
    %add3A_115 = arith.addf %dot_general3A_110, %add3A_114 : vector<1792x1024xf32>
    %reduce_min3A_116 = arith.constant dense<0x7F800000> : vector<1792xf32>
    %reduce_min3A_117 = vector.multi_reduction <minimumf>, %add3A_115, %reduce_min3A_116 [1] : vector<1792x1024xf32> to vector<1792xf32>
    %broadcast_in_dim3A_118 = vector.shape_cast %reduce_min3A_117 : vector<1792xf32> to vector<1792x1xf32>
    %le3A_119 = vector.broadcast %broadcast_in_dim3A_118 : vector<1792x1xf32> to vector<1792x1024xf32>
    %le3A_120 = arith.cmpf ole, %add3A_115, %le3A_119 : vector<1792x1024xf32>
    %jit3A_121 = arith.constant 3.000000e+38 : f32
    %broadcast_in_dim3A_122 = vector.broadcast %jit3A_121 : f32 to vector<1792x1024xf32>
    %select_n3A_123 = arith.select %le3A_120, %convert_element_type3A, %broadcast_in_dim3A_122 : vector<1792x1024xi1>, vector<1792x1024xf32>
    %reduce_min3A_124 = arith.constant dense<0x7F800000> : vector<1792xf32>
    %reduce_min3A_125 = vector.multi_reduction <minimumf>, %select_n3A_123, %reduce_min3A_124 [1] : vector<1792x1024xf32> to vector<1792xf32>
    %broadcast_in_dim3A_126 = vector.shape_cast %reduce_min3A_125 : vector<1792xf32> to vector<1792x1xf32>
    %lt3A_127 = arith.cmpf olt, %broadcast_in_dim3A_118, %select_n3A_105 : vector<1792x1xf32>
    %add3A_128 = arith.constant 4.096000e+03 : f32
    %add3A_129 = vector.broadcast %add3A_128 : f32 to vector<1792x1xf32>
    %add3A_130 = arith.addf %broadcast_in_dim3A_126, %add3A_129 : vector<1792x1xf32>
    %select_n3A_131 = arith.select %lt3A_127, %add3A_130, %select_n3A_104 : vector<1792x1xi1>, vector<1792x1xf32>
    %select_n3A_132 = arith.select %lt3A_127, %broadcast_in_dim3A_118, %select_n3A_105 : vector<1792x1xi1>, vector<1792x1xf32>
    %get3A_133 = arith.constant 0 : index
    %get3A_134 = arith.constant 5120 : index
    %get3A_135 = vector.load %arg2[%get3A_133, %get3A_134] : memref<8x7168xf32, #tpu.memory_space<vmem>>, vector<8x1024xf32>
    %dot_general3A_136 = arith.constant dense<0.000000e+00> : vector<1792x1024xf32>
    %dot_general3A_137 = tpu.matmul %get3A_1, %get3A_135, %dot_general3A_136 {dimension_numbers = #tpu.dot_dimension_numbers<[1], [0], [0], [1], [0, 0, 1, 1], [], []>, transpose_lhs_hint = false} : vector<1792x8xf32>, vector<8x1024xf32>, vector<1792x1024xf32> -> vector<1792x1024xf32>
    %get3A_138 = arith.constant 0 : index
    %get3A_139 = arith.constant 5120 : index
    %get3A_140 = vector.load %arg3[%get3A_138, %get3A_139] : memref<1x7168xf32, #tpu.memory_space<vmem>>, vector<1x1024xf32>
    %add3A_141 = vector.broadcast %get3A_140 : vector<1x1024xf32> to vector<1792x1024xf32>
    %add3A_142 = arith.addf %dot_general3A_137, %add3A_141 : vector<1792x1024xf32>
    %reduce_min3A_143 = arith.constant dense<0x7F800000> : vector<1792xf32>
    %reduce_min3A_144 = vector.multi_reduction <minimumf>, %add3A_142, %reduce_min3A_143 [1] : vector<1792x1024xf32> to vector<1792xf32>
    %broadcast_in_dim3A_145 = vector.shape_cast %reduce_min3A_144 : vector<1792xf32> to vector<1792x1xf32>
    %le3A_146 = vector.broadcast %broadcast_in_dim3A_145 : vector<1792x1xf32> to vector<1792x1024xf32>
    %le3A_147 = arith.cmpf ole, %add3A_142, %le3A_146 : vector<1792x1024xf32>
    %jit3A_148 = arith.constant 3.000000e+38 : f32
    %broadcast_in_dim3A_149 = vector.broadcast %jit3A_148 : f32 to vector<1792x1024xf32>
    %select_n3A_150 = arith.select %le3A_147, %convert_element_type3A, %broadcast_in_dim3A_149 : vector<1792x1024xi1>, vector<1792x1024xf32>
    %reduce_min3A_151 = arith.constant dense<0x7F800000> : vector<1792xf32>
    %reduce_min3A_152 = vector.multi_reduction <minimumf>, %select_n3A_150, %reduce_min3A_151 [1] : vector<1792x1024xf32> to vector<1792xf32>
    %broadcast_in_dim3A_153 = vector.shape_cast %reduce_min3A_152 : vector<1792xf32> to vector<1792x1xf32>
    %lt3A_154 = arith.cmpf olt, %broadcast_in_dim3A_145, %select_n3A_132 : vector<1792x1xf32>
    %add3A_155 = arith.constant 5.120000e+03 : f32
    %add3A_156 = vector.broadcast %add3A_155 : f32 to vector<1792x1xf32>
    %add3A_157 = arith.addf %broadcast_in_dim3A_153, %add3A_156 : vector<1792x1xf32>
    %select_n3A_158 = arith.select %lt3A_154, %add3A_157, %select_n3A_131 : vector<1792x1xi1>, vector<1792x1xf32>
    %select_n3A_159 = arith.select %lt3A_154, %broadcast_in_dim3A_145, %select_n3A_132 : vector<1792x1xi1>, vector<1792x1xf32>
    %get3A_160 = arith.constant 0 : index
    %get3A_161 = arith.constant 6144 : index
    %get3A_162 = vector.load %arg2[%get3A_160, %get3A_161] : memref<8x7168xf32, #tpu.memory_space<vmem>>, vector<8x1024xf32>
    %dot_general3A_163 = arith.constant dense<0.000000e+00> : vector<1792x1024xf32>
    %dot_general3A_164 = tpu.matmul %get3A_1, %get3A_162, %dot_general3A_163 {dimension_numbers = #tpu.dot_dimension_numbers<[1], [0], [0], [1], [0, 0, 1, 1], [], []>, transpose_lhs_hint = false} : vector<1792x8xf32>, vector<8x1024xf32>, vector<1792x1024xf32> -> vector<1792x1024xf32>
    %get3A_165 = arith.constant 0 : index
    %get3A_166 = arith.constant 6144 : index
    %get3A_167 = vector.load %arg3[%get3A_165, %get3A_166] : memref<1x7168xf32, #tpu.memory_space<vmem>>, vector<1x1024xf32>
    %add3A_168 = vector.broadcast %get3A_167 : vector<1x1024xf32> to vector<1792x1024xf32>
    %add3A_169 = arith.addf %dot_general3A_164, %add3A_168 : vector<1792x1024xf32>
    %reduce_min3A_170 = arith.constant dense<0x7F800000> : vector<1792xf32>
    %reduce_min3A_171 = vector.multi_reduction <minimumf>, %add3A_169, %reduce_min3A_170 [1] : vector<1792x1024xf32> to vector<1792xf32>
    %broadcast_in_dim3A_172 = vector.shape_cast %reduce_min3A_171 : vector<1792xf32> to vector<1792x1xf32>
    %le3A_173 = vector.broadcast %broadcast_in_dim3A_172 : vector<1792x1xf32> to vector<1792x1024xf32>
    %le3A_174 = arith.cmpf ole, %add3A_169, %le3A_173 : vector<1792x1024xf32>
    %jit3A_175 = arith.constant 3.000000e+38 : f32
    %broadcast_in_dim3A_176 = vector.broadcast %jit3A_175 : f32 to vector<1792x1024xf32>
    %select_n3A_177 = arith.select %le3A_174, %convert_element_type3A, %broadcast_in_dim3A_176 : vector<1792x1024xi1>, vector<1792x1024xf32>
    %reduce_min3A_178 = arith.constant dense<0x7F800000> : vector<1792xf32>
    %reduce_min3A_179 = vector.multi_reduction <minimumf>, %select_n3A_177, %reduce_min3A_178 [1] : vector<1792x1024xf32> to vector<1792xf32>
    %broadcast_in_dim3A_180 = vector.shape_cast %reduce_min3A_179 : vector<1792xf32> to vector<1792x1xf32>
    %lt3A_181 = arith.cmpf olt, %broadcast_in_dim3A_172, %select_n3A_159 : vector<1792x1xf32>
    %add3A_182 = arith.constant 6.144000e+03 : f32
    %add3A_183 = vector.broadcast %add3A_182 : f32 to vector<1792x1xf32>
    %add3A_184 = arith.addf %broadcast_in_dim3A_180, %add3A_183 : vector<1792x1xf32>
    %select_n3A_185 = arith.select %lt3A_181, %add3A_184, %select_n3A_158 : vector<1792x1xi1>, vector<1792x1xf32>
    %convert_element_type3A_186 = arith.fptosi %select_n3A_185 : vector<1792x1xf32> to vector<1792x1xi32>
    %swap3A = arith.constant 0 : index
    %swap3A_187 = arith.constant 0 : index
    %swap3A_188 = vector.load %arg4[%swap3A, %swap3A_187] : memref<1792x1xi32, #tpu.memory_space<vmem>>, vector<1792x1xi32>
    tpu.vector_store %arg4[%swap3A, %swap3A_187], %convert_element_type3A_186 {strides = array<i32>} : memref<1792x1xi32, #tpu.memory_space<vmem>>, vector<1792x1xi32>,
    return
  }
  func.func @transform_0(%arg0: i32) -> (i32, i32) {
    %add3A = arith.constant 0 : i32
    %add3A_0 = arith.addi %arg0, %add3A : i32
    %c0_i32 = arith.constant 0 : i32
    %c0_i32_1 = arith.constant 0 : i32
    return %add3A_0, %c0_i32 : i32, i32
  }
  func.func @transform_1(%arg0: i32) -> (i32, i32) {
    %c0_i32 = arith.constant 0 : i32
    %c0_i32_0 = arith.constant 0 : i32
    %c0_i32_1 = arith.constant 0 : i32
    return %c0_i32, %c0_i32_0 : i32, i32
  }
  func.func @transform_2(%arg0: i32) -> (i32, i32) {
    %c0_i32 = arith.constant 0 : i32
    %c0_i32_0 = arith.constant 0 : i32
    %c0_i32_1 = arith.constant 0 : i32
    return %c0_i32, %c0_i32_0 : i32, i32
  }
  func.func @transform_3(%arg0: i32) -> (i32, i32) {
    %c0_i32 = arith.constant 0 : i32
    %c0_i32_0 = arith.constant 0 : i32
    return %arg0, %c0_i32 : i32, i32
  }
}

module attributes {stable_mosaic.version = 14 : i64} {
  func.func @_mlp_body(%arg0: i32, %arg1: memref<1792x8xf32, #tpu.memory_space<vmem>>, %arg2: memref<1792x128xf32, #tpu.memory_space<vmem>>, %arg3: memref<1792x128xf32, #tpu.memory_space<vmem>>, %arg4: memref<128x128xf32, #tpu.memory_space<vmem>>, %arg5: memref<1x128xf32, #tpu.memory_space<vmem>>, %arg6: memref<1x8xf32, #tpu.memory_space<vmem>>, %arg7: memref<1x8xf32, #tpu.memory_space<vmem>>, %arg8: memref<8x128xf32, #tpu.memory_space<vmem>>, %arg9: memref<128x128xf32, #tpu.memory_space<vmem>>, %arg10: memref<1x128xf32, #tpu.memory_space<vmem>>, %arg11: memref<128x128xf32, #tpu.memory_space<vmem>>, %arg12: memref<1x128xf32, #tpu.memory_space<vmem>>, %arg13: memref<128x64xf32, #tpu.memory_space<vmem>>, %arg14: memref<1x64xf32, #tpu.memory_space<vmem>>, %arg15: memref<64x8xf32, #tpu.memory_space<vmem>>, %arg16: memref<1x8xf32, #tpu.memory_space<vmem>>, %arg17: memref<1792x8xf32, #tpu.memory_space<vmem>>) attributes {dimension_semantics = [#tpu.dimension_semantics<parallel>], iteration_bounds = array<i64: 28>, scalar_prefetch = 0 : i64, scratch_operands = 0 : i64, tpu.core_type = #tpu.core_type<tc>, window_params = [{transform_indices = @transform_0, window_bounds = array<i64: 1792, 8>}, {transform_indices = @transform_1, window_bounds = array<i64: 1792, 128>}, {transform_indices = @transform_2, window_bounds = array<i64: 1792, 128>}, {pipeline_mode = #tpu.pipeline_mode<synchronous>, transform_indices = @transform_3, window_bounds = array<i64: 128, 128>}, {pipeline_mode = #tpu.pipeline_mode<synchronous>, transform_indices = @transform_4, window_bounds = array<i64: 1, 128>}, {pipeline_mode = #tpu.pipeline_mode<synchronous>, transform_indices = @transform_5, window_bounds = array<i64: 1, 8>}, {pipeline_mode = #tpu.pipeline_mode<synchronous>, transform_indices = @transform_6, window_bounds = array<i64: 1, 8>}, {pipeline_mode = #tpu.pipeline_mode<synchronous>, transform_indices = @transform_7, window_bounds = array<i64: 8, 128>}, {pipeline_mode = #tpu.pipeline_mode<synchronous>, transform_indices = @transform_8, window_bounds = array<i64: 128, 128>}, {pipeline_mode = #tpu.pipeline_mode<synchronous>, transform_indices = @transform_9, window_bounds = array<i64: 1, 128>}, {pipeline_mode = #tpu.pipeline_mode<synchronous>, transform_indices = @transform_10, window_bounds = array<i64: 128, 128>}, {pipeline_mode = #tpu.pipeline_mode<synchronous>, transform_indices = @transform_11, window_bounds = array<i64: 1, 128>}, {pipeline_mode = #tpu.pipeline_mode<synchronous>, transform_indices = @transform_12, window_bounds = array<i64: 128, 64>}, {pipeline_mode = #tpu.pipeline_mode<synchronous>, transform_indices = @transform_13, window_bounds = array<i64: 1, 64>}, {pipeline_mode = #tpu.pipeline_mode<synchronous>, transform_indices = @transform_14, window_bounds = array<i64: 64, 8>}, {pipeline_mode = #tpu.pipeline_mode<synchronous>, transform_indices = @transform_15, window_bounds = array<i64: 1, 8>}, {transform_indices = @transform_16, window_bounds = array<i64: 1792, 8>}]} {
    %get3A = arith.constant 0 : index
    %get3A_0 = arith.constant 0 : index
    %get3A_1 = vector.load %arg1[%get3A, %get3A_0] : memref<1792x8xf32, #tpu.memory_space<vmem>>, vector<1792x8xf32>
    %get3A_2 = arith.constant 0 : index
    %get3A_3 = arith.constant 0 : index
    %get3A_4 = vector.load %arg6[%get3A_2, %get3A_3] : memref<1x8xf32, #tpu.memory_space<vmem>>, vector<1x8xf32>
    %sub3A = vector.broadcast %get3A_4 : vector<1x8xf32> to vector<1792x8xf32>
    %sub3A_5 = arith.subf %get3A_1, %sub3A : vector<1792x8xf32>
    %mul3A = arith.constant 2.000000e+00 : f32
    %mul3A_6 = vector.broadcast %mul3A : f32 to vector<1792x8xf32>
    %mul3A_7 = arith.mulf %mul3A_6, %sub3A_5 : vector<1792x8xf32>
    %get3A_8 = arith.constant 0 : index
    %get3A_9 = arith.constant 0 : index
    %get3A_10 = vector.load %arg7[%get3A_8, %get3A_9] : memref<1x8xf32, #tpu.memory_space<vmem>>, vector<1x8xf32>
    %get3A_11 = arith.constant 0 : index
    %get3A_12 = arith.constant 0 : index
    %get3A_13 = vector.load %arg6[%get3A_11, %get3A_12] : memref<1x8xf32, #tpu.memory_space<vmem>>, vector<1x8xf32>
    %sub3A_14 = arith.subf %get3A_10, %get3A_13 : vector<1x8xf32>
    %div3A = vector.broadcast %sub3A_14 : vector<1x8xf32> to vector<1792x8xf32>
    %div3A_15 = arith.divf %mul3A_7, %div3A : vector<1792x8xf32>
    %sub3A_16 = arith.constant 1.000000e+00 : f32
    %sub3A_17 = vector.broadcast %sub3A_16 : f32 to vector<1792x8xf32>
    %sub3A_18 = arith.subf %div3A_15, %sub3A_17 : vector<1792x8xf32>
    %get3A_19 = arith.constant 0 : index
    %get3A_20 = arith.constant 0 : index
    %get3A_21 = vector.load %arg3[%get3A_19, %get3A_20] : memref<1792x128xf32, #tpu.memory_space<vmem>>, vector<1792x128xf32>
    %get3A_22 = arith.constant 0 : index
    %get3A_23 = arith.constant 0 : index
    %get3A_24 = vector.load %arg2[%get3A_22, %get3A_23] : memref<1792x128xf32, #tpu.memory_space<vmem>>, vector<1792x128xf32>
    %get3A_25 = arith.constant 0 : index
    %get3A_26 = arith.constant 0 : index
    %get3A_27 = vector.load %arg4[%get3A_25, %get3A_26] : memref<128x128xf32, #tpu.memory_space<vmem>>, vector<128x128xf32>
    %dot_general3A = arith.constant dense<0.000000e+00> : vector<1792x128xf32>
    %dot_general3A_28 = tpu.matmul %get3A_24, %get3A_27, %dot_general3A {dimension_numbers = #tpu.dot_dimension_numbers<[1], [0], [0], [1], [0, 0, 1, 1], [], []>, transpose_lhs_hint = false} : vector<1792x128xf32>, vector<128x128xf32>, vector<1792x128xf32> -> vector<1792x128xf32>
    %add3A = arith.addf %get3A_21, %dot_general3A_28 : vector<1792x128xf32>
    %get3A_29 = arith.constant 0 : index
    %get3A_30 = arith.constant 0 : index
    %get3A_31 = vector.load %arg5[%get3A_29, %get3A_30] : memref<1x128xf32, #tpu.memory_space<vmem>>, vector<1x128xf32>
    %add3A_32 = vector.broadcast %get3A_31 : vector<1x128xf32> to vector<1792x128xf32>
    %add3A_33 = arith.addf %add3A, %add3A_32 : vector<1792x128xf32>
    %integer_pow3A = arith.mulf %add3A_33, %add3A_33 : vector<1792x128xf32>
    %integer_pow3A_34 = arith.mulf %add3A_33, %integer_pow3A : vector<1792x128xf32>
    %mul3A_35 = arith.constant 4.471500e-02 : f32
    %mul3A_36 = vector.broadcast %mul3A_35 : f32 to vector<1792x128xf32>
    %mul3A_37 = arith.mulf %mul3A_36, %integer_pow3A_34 : vector<1792x128xf32>
    %add3A_38 = arith.addf %add3A_33, %mul3A_37 : vector<1792x128xf32>
    %mul3A_39 = arith.constant 0.797884583 : f32
    %mul3A_40 = vector.broadcast %mul3A_39 : f32 to vector<1792x128xf32>
    %mul3A_41 = arith.mulf %mul3A_40, %add3A_38 : vector<1792x128xf32>
    %tanh3A = math.tanh %mul3A_41 : vector<1792x128xf32>
    %add3A_42 = arith.constant 1.000000e+00 : f32
    %add3A_43 = vector.broadcast %add3A_42 : f32 to vector<1792x128xf32>
    %add3A_44 = arith.addf %add3A_43, %tanh3A : vector<1792x128xf32>
    %mul3A_45 = arith.constant 5.000000e-01 : f32
    %mul3A_46 = vector.broadcast %mul3A_45 : f32 to vector<1792x128xf32>
    %mul3A_47 = arith.mulf %mul3A_46, %add3A_44 : vector<1792x128xf32>
    %mul3A_48 = arith.mulf %add3A_33, %mul3A_47 : vector<1792x128xf32>
    %get3A_49 = arith.constant 0 : index
    %get3A_50 = arith.constant 0 : index
    %get3A_51 = vector.load %arg8[%get3A_49, %get3A_50] : memref<8x128xf32, #tpu.memory_space<vmem>>, vector<8x128xf32>
    %slice3A = vector.extract_strided_slice %sub3A_18 {offsets = [0, 0], sizes = [1792, 1], strides = [1, 1]} : vector<1792x8xf32> to vector<1792x1xf32>
    %slice3A_52 = vector.extract_strided_slice %get3A_51 {offsets = [0, 0], sizes = [1, 128], strides = [1, 1]} : vector<8x128xf32> to vector<1x128xf32>
    %mul3A_53 = vector.broadcast %slice3A : vector<1792x1xf32> to vector<1792x128xf32>
    %mul3A_54 = vector.broadcast %slice3A_52 : vector<1x128xf32> to vector<1792x128xf32>
    %mul3A_55 = arith.mulf %mul3A_53, %mul3A_54 : vector<1792x128xf32>
    %slice3A_56 = vector.extract_strided_slice %sub3A_18 {offsets = [0, 1], sizes = [1792, 1], strides = [1, 1]} : vector<1792x8xf32> to vector<1792x1xf32>
    %slice3A_57 = vector.extract_strided_slice %get3A_51 {offsets = [1, 0], sizes = [1, 128], strides = [1, 1]} : vector<8x128xf32> to vector<1x128xf32>
    %mul3A_58 = vector.broadcast %slice3A_56 : vector<1792x1xf32> to vector<1792x128xf32>
    %mul3A_59 = vector.broadcast %slice3A_57 : vector<1x128xf32> to vector<1792x128xf32>
    %mul3A_60 = arith.mulf %mul3A_58, %mul3A_59 : vector<1792x128xf32>
    %add3A_61 = arith.addf %mul3A_55, %mul3A_60 : vector<1792x128xf32>
    %slice3A_62 = vector.extract_strided_slice %sub3A_18 {offsets = [0, 2], sizes = [1792, 1], strides = [1, 1]} : vector<1792x8xf32> to vector<1792x1xf32>
    %slice3A_63 = vector.extract_strided_slice %get3A_51 {offsets = [2, 0], sizes = [1, 128], strides = [1, 1]} : vector<8x128xf32> to vector<1x128xf32>
    %mul3A_64 = vector.broadcast %slice3A_62 : vector<1792x1xf32> to vector<1792x128xf32>
    %mul3A_65 = vector.broadcast %slice3A_63 : vector<1x128xf32> to vector<1792x128xf32>
    %mul3A_66 = arith.mulf %mul3A_64, %mul3A_65 : vector<1792x128xf32>
    %add3A_67 = arith.addf %add3A_61, %mul3A_66 : vector<1792x128xf32>
    %get3A_68 = arith.constant 0 : index
    %get3A_69 = arith.constant 0 : index
    %get3A_70 = vector.load %arg9[%get3A_68, %get3A_69] : memref<128x128xf32, #tpu.memory_space<vmem>>, vector<128x128xf32>
    %dot_general3A_71 = arith.constant dense<0.000000e+00> : vector<1792x128xf32>
    %dot_general3A_72 = tpu.matmul %mul3A_48, %get3A_70, %dot_general3A_71 {dimension_numbers = #tpu.dot_dimension_numbers<[1], [0], [0], [1], [0, 0, 1, 1], [], []>, transpose_lhs_hint = false} : vector<1792x128xf32>, vector<128x128xf32>, vector<1792x128xf32> -> vector<1792x128xf32>
    %add3A_73 = arith.addf %add3A_67, %dot_general3A_72 : vector<1792x128xf32>
    %get3A_74 = arith.constant 0 : index
    %get3A_75 = arith.constant 0 : index
    %get3A_76 = vector.load %arg10[%get3A_74, %get3A_75] : memref<1x128xf32, #tpu.memory_space<vmem>>, vector<1x128xf32>
    %add3A_77 = vector.broadcast %get3A_76 : vector<1x128xf32> to vector<1792x128xf32>
    %add3A_78 = arith.addf %add3A_73, %add3A_77 : vector<1792x128xf32>
    %max3A = arith.constant 0.000000e+00 : f32
    %max3A_79 = vector.broadcast %max3A : f32 to vector<1792x128xf32>
    %max3A_80 = arith.maximumf %add3A_78, %max3A_79 : vector<1792x128xf32>
    %get3A_81 = arith.constant 0 : index
    %get3A_82 = arith.constant 0 : index
    %get3A_83 = vector.load %arg11[%get3A_81, %get3A_82] : memref<128x128xf32, #tpu.memory_space<vmem>>, vector<128x128xf32>
    %dot_general3A_84 = arith.constant dense<0.000000e+00> : vector<1792x128xf32>
    %dot_general3A_85 = tpu.matmul %max3A_80, %get3A_83, %dot_general3A_84 {dimension_numbers = #tpu.dot_dimension_numbers<[1], [0], [0], [1], [0, 0, 1, 1], [], []>, transpose_lhs_hint = false} : vector<1792x128xf32>, vector<128x128xf32>, vector<1792x128xf32> -> vector<1792x128xf32>
    %get3A_86 = arith.constant 0 : index
    %get3A_87 = arith.constant 0 : index
    %get3A_88 = vector.load %arg12[%get3A_86, %get3A_87] : memref<1x128xf32, #tpu.memory_space<vmem>>, vector<1x128xf32>
    %add3A_89 = vector.broadcast %get3A_88 : vector<1x128xf32> to vector<1792x128xf32>
    %add3A_90 = arith.addf %dot_general3A_85, %add3A_89 : vector<1792x128xf32>
    %max3A_91 = arith.constant 0.000000e+00 : f32
    %max3A_92 = vector.broadcast %max3A_91 : f32 to vector<1792x128xf32>
    %max3A_93 = arith.maximumf %add3A_90, %max3A_92 : vector<1792x128xf32>
    %get3A_94 = arith.constant 0 : index
    %get3A_95 = arith.constant 0 : index
    %get3A_96 = vector.load %arg13[%get3A_94, %get3A_95] : memref<128x64xf32, #tpu.memory_space<vmem>>, vector<128x64xf32>
    %dot_general3A_97 = arith.constant dense<0.000000e+00> : vector<1792x64xf32>
    %dot_general3A_98 = tpu.matmul %max3A_93, %get3A_96, %dot_general3A_97 {dimension_numbers = #tpu.dot_dimension_numbers<[1], [0], [0], [1], [0, 0, 1, 1], [], []>, transpose_lhs_hint = false} : vector<1792x128xf32>, vector<128x64xf32>, vector<1792x64xf32> -> vector<1792x64xf32>
    %get3A_99 = arith.constant 0 : index
    %get3A_100 = arith.constant 0 : index
    %get3A_101 = vector.load %arg14[%get3A_99, %get3A_100] : memref<1x64xf32, #tpu.memory_space<vmem>>, vector<1x64xf32>
    %add3A_102 = vector.broadcast %get3A_101 : vector<1x64xf32> to vector<1792x64xf32>
    %add3A_103 = arith.addf %dot_general3A_98, %add3A_102 : vector<1792x64xf32>
    %get3A_104 = arith.constant 0 : index
    %get3A_105 = arith.constant 0 : index
    %get3A_106 = vector.load %arg15[%get3A_104, %get3A_105] : memref<64x8xf32, #tpu.memory_space<vmem>>, vector<64x8xf32>
    %dot_general3A_107 = arith.constant dense<0.000000e+00> : vector<1792x8xf32>
    %dot_general3A_108 = tpu.matmul %add3A_103, %get3A_106, %dot_general3A_107 {dimension_numbers = #tpu.dot_dimension_numbers<[1], [0], [0], [1], [0, 0, 1, 1], [], []>, transpose_lhs_hint = false} : vector<1792x64xf32>, vector<64x8xf32>, vector<1792x8xf32> -> vector<1792x8xf32>
    %get3A_109 = arith.constant 0 : index
    %get3A_110 = arith.constant 0 : index
    %get3A_111 = vector.load %arg16[%get3A_109, %get3A_110] : memref<1x8xf32, #tpu.memory_space<vmem>>, vector<1x8xf32>
    %add3A_112 = vector.broadcast %get3A_111 : vector<1x8xf32> to vector<1792x8xf32>
    %add3A_113 = arith.addf %dot_general3A_108, %add3A_112 : vector<1792x8xf32>
    %iota3A = tpu.iota {dimensions = array<i32: 1>} : vector<1792x8xi32>
    %lt3A = arith.constant 4 : i32
    %lt3A_114 = vector.broadcast %lt3A : i32 to vector<1792x8xi32>
    %lt3A_115 = arith.cmpi slt, %iota3A, %lt3A_114 : vector<1792x8xi32>
    %mul3A_116 = arith.mulf %add3A_113, %add3A_113 : vector<1792x8xf32>
    %jit3A = arith.constant 0.000000e+00 : f32
    %broadcast_in_dim3A = vector.broadcast %jit3A : f32 to vector<1792x8xf32>
    %select_n3A = arith.select %lt3A_115, %mul3A_116, %broadcast_in_dim3A : vector<1792x8xi1>, vector<1792x8xf32>
    %reduce_sum3A = arith.constant dense<0.000000e+00> : vector<1792xf32>
    %reduce_sum3A_117 = vector.multi_reduction <add>, %select_n3A, %reduce_sum3A [1] : vector<1792x8xf32> to vector<1792xf32>
    %broadcast_in_dim3A_118 = vector.shape_cast %reduce_sum3A_117 : vector<1792xf32> to vector<1792x1xf32>
    %sqrt3A = math.sqrt %broadcast_in_dim3A_118 : vector<1792x1xf32>
    %max3A_119 = arith.constant 9.99999996E-13 : f32
    %max3A_120 = vector.broadcast %max3A_119 : f32 to vector<1792x1xf32>
    %max3A_121 = arith.maximumf %sqrt3A, %max3A_120 : vector<1792x1xf32>
    %div3A_122 = vector.broadcast %max3A_121 : vector<1792x1xf32> to vector<1792x8xf32>
    %div3A_123 = arith.divf %add3A_113, %div3A_122 : vector<1792x8xf32>
    %select_n3A_124 = arith.select %lt3A_115, %div3A_123, %add3A_113 : vector<1792x8xi1>, vector<1792x8xf32>
    %swap3A = arith.constant 0 : index
    %swap3A_125 = arith.constant 0 : index
    %swap3A_126 = vector.load %arg17[%swap3A, %swap3A_125] : memref<1792x8xf32, #tpu.memory_space<vmem>>, vector<1792x8xf32>
    tpu.vector_store %arg17[%swap3A, %swap3A_125], %select_n3A_124 {strides = array<i32>} : memref<1792x8xf32, #tpu.memory_space<vmem>>, vector<1792x8xf32>,
    return
  }
  func.func @transform_0(%arg0: i32) -> (i32, i32) {
    %add3A = arith.constant 28 : i32
    %add3A_0 = arith.addi %arg0, %add3A : i32
    %c0_i32 = arith.constant 0 : i32
    %c0_i32_1 = arith.constant 0 : i32
    return %add3A_0, %c0_i32 : i32, i32
  }
  func.func @transform_1(%arg0: i32) -> (i32, i32) {
    %add3A = arith.constant 28 : i32
    %add3A_0 = arith.addi %arg0, %add3A : i32
    %c0_i32 = arith.constant 0 : i32
    %c0_i32_1 = arith.constant 0 : i32
    return %add3A_0, %c0_i32 : i32, i32
  }
  func.func @transform_2(%arg0: i32) -> (i32, i32) {
    %c0_i32 = arith.constant 0 : i32
    %c0_i32_0 = arith.constant 0 : i32
    return %arg0, %c0_i32 : i32, i32
  }
  func.func @transform_3(%arg0: i32) -> (i32, i32) {
    %c0_i32 = arith.constant 0 : i32
    %c0_i32_0 = arith.constant 0 : i32
    %c0_i32_1 = arith.constant 0 : i32
    return %c0_i32, %c0_i32_0 : i32, i32
  }
  func.func @transform_4(%arg0: i32) -> (i32, i32) {
    %c0_i32 = arith.constant 0 : i32
    %c0_i32_0 = arith.constant 0 : i32
    %c0_i32_1 = arith.constant 0 : i32
    return %c0_i32, %c0_i32_0 : i32, i32
  }
  func.func @transform_5(%arg0: i32) -> (i32, i32) {
    %c0_i32 = arith.constant 0 : i32
    %c0_i32_0 = arith.constant 0 : i32
    %c0_i32_1 = arith.constant 0 : i32
    return %c0_i32, %c0_i32_0 : i32, i32
  }
  func.func @transform_6(%arg0: i32) -> (i32, i32) {
    %c0_i32 = arith.constant 0 : i32
    %c0_i32_0 = arith.constant 0 : i32
    %c0_i32_1 = arith.constant 0 : i32
    return %c0_i32, %c0_i32_0 : i32, i32
  }
  func.func @transform_7(%arg0: i32) -> (i32, i32) {
    %c0_i32 = arith.constant 0 : i32
    %c0_i32_0 = arith.constant 0 : i32
    %c0_i32_1 = arith.constant 0 : i32
    return %c0_i32, %c0_i32_0 : i32, i32
  }
  func.func @transform_8(%arg0: i32) -> (i32, i32) {
    %c0_i32 = arith.constant 0 : i32
    %c0_i32_0 = arith.constant 0 : i32
    %c0_i32_1 = arith.constant 0 : i32
    return %c0_i32, %c0_i32_0 : i32, i32
  }
  func.func @transform_9(%arg0: i32) -> (i32, i32) {
    %c0_i32 = arith.constant 0 : i32
    %c0_i32_0 = arith.constant 0 : i32
    %c0_i32_1 = arith.constant 0 : i32
    return %c0_i32, %c0_i32_0 : i32, i32
  }
  func.func @transform_10(%arg0: i32) -> (i32, i32) {
    %c0_i32 = arith.constant 0 : i32
    %c0_i32_0 = arith.constant 0 : i32
    %c0_i32_1 = arith.constant 0 : i32
    return %c0_i32, %c0_i32_0 : i32, i32
  }
  func.func @transform_11(%arg0: i32) -> (i32, i32) {
    %c0_i32 = arith.constant 0 : i32
    %c0_i32_0 = arith.constant 0 : i32
    %c0_i32_1 = arith.constant 0 : i32
    return %c0_i32, %c0_i32_0 : i32, i32
  }
  func.func @transform_12(%arg0: i32) -> (i32, i32) {
    %c0_i32 = arith.constant 0 : i32
    %c0_i32_0 = arith.constant 0 : i32
    %c0_i32_1 = arith.constant 0 : i32
    return %c0_i32, %c0_i32_0 : i32, i32
  }
  func.func @transform_13(%arg0: i32) -> (i32, i32) {
    %c0_i32 = arith.constant 0 : i32
    %c0_i32_0 = arith.constant 0 : i32
    %c0_i32_1 = arith.constant 0 : i32
    return %c0_i32, %c0_i32_0 : i32, i32
  }
  func.func @transform_14(%arg0: i32) -> (i32, i32) {
    %c0_i32 = arith.constant 0 : i32
    %c0_i32_0 = arith.constant 0 : i32
    %c0_i32_1 = arith.constant 0 : i32
    return %c0_i32, %c0_i32_0 : i32, i32
  }
  func.func @transform_15(%arg0: i32) -> (i32, i32) {
    %c0_i32 = arith.constant 0 : i32
    %c0_i32_0 = arith.constant 0 : i32
    %c0_i32_1 = arith.constant 0 : i32
    return %c0_i32, %c0_i32_0 : i32, i32
  }
  func.func @transform_16(%arg0: i32) -> (i32, i32) {
    %c0_i32 = arith.constant 0 : i32
    %c0_i32_0 = arith.constant 0 : i32
    return %arg0, %c0_i32 : i32, i32
  }
}

module attributes {stable_mosaic.version = 14 : i64} {
  func.func @_mlp_body(%arg0: i32, %arg1: memref<1792x8xf32, #tpu.memory_space<vmem>>, %arg2: memref<1792x128xf32, #tpu.memory_space<vmem>>, %arg3: memref<1792x128xf32, #tpu.memory_space<vmem>>, %arg4: memref<128x128xf32, #tpu.memory_space<vmem>>, %arg5: memref<1x128xf32, #tpu.memory_space<vmem>>, %arg6: memref<1x8xf32, #tpu.memory_space<vmem>>, %arg7: memref<1x8xf32, #tpu.memory_space<vmem>>, %arg8: memref<8x128xf32, #tpu.memory_space<vmem>>, %arg9: memref<128x128xf32, #tpu.memory_space<vmem>>, %arg10: memref<1x128xf32, #tpu.memory_space<vmem>>, %arg11: memref<128x128xf32, #tpu.memory_space<vmem>>, %arg12: memref<1x128xf32, #tpu.memory_space<vmem>>, %arg13: memref<128x64xf32, #tpu.memory_space<vmem>>, %arg14: memref<1x64xf32, #tpu.memory_space<vmem>>, %arg15: memref<64x8xf32, #tpu.memory_space<vmem>>, %arg16: memref<1x8xf32, #tpu.memory_space<vmem>>, %arg17: memref<1792x8xf32, #tpu.memory_space<vmem>>) attributes {dimension_semantics = [#tpu.dimension_semantics<parallel>], iteration_bounds = array<i64: 28>, scalar_prefetch = 0 : i64, scratch_operands = 0 : i64, tpu.core_type = #tpu.core_type<tc>, window_params = [{transform_indices = @transform_0, window_bounds = array<i64: 1792, 8>}, {transform_indices = @transform_1, window_bounds = array<i64: 1792, 128>}, {transform_indices = @transform_2, window_bounds = array<i64: 1792, 128>}, {pipeline_mode = #tpu.pipeline_mode<synchronous>, transform_indices = @transform_3, window_bounds = array<i64: 128, 128>}, {pipeline_mode = #tpu.pipeline_mode<synchronous>, transform_indices = @transform_4, window_bounds = array<i64: 1, 128>}, {pipeline_mode = #tpu.pipeline_mode<synchronous>, transform_indices = @transform_5, window_bounds = array<i64: 1, 8>}, {pipeline_mode = #tpu.pipeline_mode<synchronous>, transform_indices = @transform_6, window_bounds = array<i64: 1, 8>}, {pipeline_mode = #tpu.pipeline_mode<synchronous>, transform_indices = @transform_7, window_bounds = array<i64: 8, 128>}, {pipeline_mode = #tpu.pipeline_mode<synchronous>, transform_indices = @transform_8, window_bounds = array<i64: 128, 128>}, {pipeline_mode = #tpu.pipeline_mode<synchronous>, transform_indices = @transform_9, window_bounds = array<i64: 1, 128>}, {pipeline_mode = #tpu.pipeline_mode<synchronous>, transform_indices = @transform_10, window_bounds = array<i64: 128, 128>}, {pipeline_mode = #tpu.pipeline_mode<synchronous>, transform_indices = @transform_11, window_bounds = array<i64: 1, 128>}, {pipeline_mode = #tpu.pipeline_mode<synchronous>, transform_indices = @transform_12, window_bounds = array<i64: 128, 64>}, {pipeline_mode = #tpu.pipeline_mode<synchronous>, transform_indices = @transform_13, window_bounds = array<i64: 1, 64>}, {pipeline_mode = #tpu.pipeline_mode<synchronous>, transform_indices = @transform_14, window_bounds = array<i64: 64, 8>}, {pipeline_mode = #tpu.pipeline_mode<synchronous>, transform_indices = @transform_15, window_bounds = array<i64: 1, 8>}, {transform_indices = @transform_16, window_bounds = array<i64: 1792, 8>}]} {
    %get3A = arith.constant 0 : index
    %get3A_0 = arith.constant 0 : index
    %get3A_1 = vector.load %arg1[%get3A, %get3A_0] : memref<1792x8xf32, #tpu.memory_space<vmem>>, vector<1792x8xf32>
    %get3A_2 = arith.constant 0 : index
    %get3A_3 = arith.constant 0 : index
    %get3A_4 = vector.load %arg6[%get3A_2, %get3A_3] : memref<1x8xf32, #tpu.memory_space<vmem>>, vector<1x8xf32>
    %sub3A = vector.broadcast %get3A_4 : vector<1x8xf32> to vector<1792x8xf32>
    %sub3A_5 = arith.subf %get3A_1, %sub3A : vector<1792x8xf32>
    %mul3A = arith.constant 2.000000e+00 : f32
    %mul3A_6 = vector.broadcast %mul3A : f32 to vector<1792x8xf32>
    %mul3A_7 = arith.mulf %mul3A_6, %sub3A_5 : vector<1792x8xf32>
    %get3A_8 = arith.constant 0 : index
    %get3A_9 = arith.constant 0 : index
    %get3A_10 = vector.load %arg7[%get3A_8, %get3A_9] : memref<1x8xf32, #tpu.memory_space<vmem>>, vector<1x8xf32>
    %get3A_11 = arith.constant 0 : index
    %get3A_12 = arith.constant 0 : index
    %get3A_13 = vector.load %arg6[%get3A_11, %get3A_12] : memref<1x8xf32, #tpu.memory_space<vmem>>, vector<1x8xf32>
    %sub3A_14 = arith.subf %get3A_10, %get3A_13 : vector<1x8xf32>
    %div3A = vector.broadcast %sub3A_14 : vector<1x8xf32> to vector<1792x8xf32>
    %div3A_15 = arith.divf %mul3A_7, %div3A : vector<1792x8xf32>
    %sub3A_16 = arith.constant 1.000000e+00 : f32
    %sub3A_17 = vector.broadcast %sub3A_16 : f32 to vector<1792x8xf32>
    %sub3A_18 = arith.subf %div3A_15, %sub3A_17 : vector<1792x8xf32>
    %get3A_19 = arith.constant 0 : index
    %get3A_20 = arith.constant 0 : index
    %get3A_21 = vector.load %arg3[%get3A_19, %get3A_20] : memref<1792x128xf32, #tpu.memory_space<vmem>>, vector<1792x128xf32>
    %get3A_22 = arith.constant 0 : index
    %get3A_23 = arith.constant 0 : index
    %get3A_24 = vector.load %arg2[%get3A_22, %get3A_23] : memref<1792x128xf32, #tpu.memory_space<vmem>>, vector<1792x128xf32>
    %get3A_25 = arith.constant 0 : index
    %get3A_26 = arith.constant 0 : index
    %get3A_27 = vector.load %arg4[%get3A_25, %get3A_26] : memref<128x128xf32, #tpu.memory_space<vmem>>, vector<128x128xf32>
    %dot_general3A = arith.constant dense<0.000000e+00> : vector<1792x128xf32>
    %dot_general3A_28 = tpu.matmul %get3A_24, %get3A_27, %dot_general3A {dimension_numbers = #tpu.dot_dimension_numbers<[1], [0], [0], [1], [0, 0, 1, 1], [], []>, transpose_lhs_hint = false} : vector<1792x128xf32>, vector<128x128xf32>, vector<1792x128xf32> -> vector<1792x128xf32>
    %add3A = arith.addf %get3A_21, %dot_general3A_28 : vector<1792x128xf32>
    %get3A_29 = arith.constant 0 : index
    %get3A_30 = arith.constant 0 : index
    %get3A_31 = vector.load %arg5[%get3A_29, %get3A_30] : memref<1x128xf32, #tpu.memory_space<vmem>>, vector<1x128xf32>
    %add3A_32 = vector.broadcast %get3A_31 : vector<1x128xf32> to vector<1792x128xf32>
    %add3A_33 = arith.addf %add3A, %add3A_32 : vector<1792x128xf32>
    %integer_pow3A = arith.mulf %add3A_33, %add3A_33 : vector<1792x128xf32>
    %integer_pow3A_34 = arith.mulf %add3A_33, %integer_pow3A : vector<1792x128xf32>
    %mul3A_35 = arith.constant 4.471500e-02 : f32
    %mul3A_36 = vector.broadcast %mul3A_35 : f32 to vector<1792x128xf32>
    %mul3A_37 = arith.mulf %mul3A_36, %integer_pow3A_34 : vector<1792x128xf32>
    %add3A_38 = arith.addf %add3A_33, %mul3A_37 : vector<1792x128xf32>
    %mul3A_39 = arith.constant 0.797884583 : f32
    %mul3A_40 = vector.broadcast %mul3A_39 : f32 to vector<1792x128xf32>
    %mul3A_41 = arith.mulf %mul3A_40, %add3A_38 : vector<1792x128xf32>
    %tanh3A = math.tanh %mul3A_41 : vector<1792x128xf32>
    %add3A_42 = arith.constant 1.000000e+00 : f32
    %add3A_43 = vector.broadcast %add3A_42 : f32 to vector<1792x128xf32>
    %add3A_44 = arith.addf %add3A_43, %tanh3A : vector<1792x128xf32>
    %mul3A_45 = arith.constant 5.000000e-01 : f32
    %mul3A_46 = vector.broadcast %mul3A_45 : f32 to vector<1792x128xf32>
    %mul3A_47 = arith.mulf %mul3A_46, %add3A_44 : vector<1792x128xf32>
    %mul3A_48 = arith.mulf %add3A_33, %mul3A_47 : vector<1792x128xf32>
    %get3A_49 = arith.constant 0 : index
    %get3A_50 = arith.constant 0 : index
    %get3A_51 = vector.load %arg8[%get3A_49, %get3A_50] : memref<8x128xf32, #tpu.memory_space<vmem>>, vector<8x128xf32>
    %slice3A = vector.extract_strided_slice %sub3A_18 {offsets = [0, 0], sizes = [1792, 1], strides = [1, 1]} : vector<1792x8xf32> to vector<1792x1xf32>
    %slice3A_52 = vector.extract_strided_slice %get3A_51 {offsets = [0, 0], sizes = [1, 128], strides = [1, 1]} : vector<8x128xf32> to vector<1x128xf32>
    %mul3A_53 = vector.broadcast %slice3A : vector<1792x1xf32> to vector<1792x128xf32>
    %mul3A_54 = vector.broadcast %slice3A_52 : vector<1x128xf32> to vector<1792x128xf32>
    %mul3A_55 = arith.mulf %mul3A_53, %mul3A_54 : vector<1792x128xf32>
    %slice3A_56 = vector.extract_strided_slice %sub3A_18 {offsets = [0, 1], sizes = [1792, 1], strides = [1, 1]} : vector<1792x8xf32> to vector<1792x1xf32>
    %slice3A_57 = vector.extract_strided_slice %get3A_51 {offsets = [1, 0], sizes = [1, 128], strides = [1, 1]} : vector<8x128xf32> to vector<1x128xf32>
    %mul3A_58 = vector.broadcast %slice3A_56 : vector<1792x1xf32> to vector<1792x128xf32>
    %mul3A_59 = vector.broadcast %slice3A_57 : vector<1x128xf32> to vector<1792x128xf32>
    %mul3A_60 = arith.mulf %mul3A_58, %mul3A_59 : vector<1792x128xf32>
    %add3A_61 = arith.addf %mul3A_55, %mul3A_60 : vector<1792x128xf32>
    %slice3A_62 = vector.extract_strided_slice %sub3A_18 {offsets = [0, 2], sizes = [1792, 1], strides = [1, 1]} : vector<1792x8xf32> to vector<1792x1xf32>
    %slice3A_63 = vector.extract_strided_slice %get3A_51 {offsets = [2, 0], sizes = [1, 128], strides = [1, 1]} : vector<8x128xf32> to vector<1x128xf32>
    %mul3A_64 = vector.broadcast %slice3A_62 : vector<1792x1xf32> to vector<1792x128xf32>
    %mul3A_65 = vector.broadcast %slice3A_63 : vector<1x128xf32> to vector<1792x128xf32>
    %mul3A_66 = arith.mulf %mul3A_64, %mul3A_65 : vector<1792x128xf32>
    %add3A_67 = arith.addf %add3A_61, %mul3A_66 : vector<1792x128xf32>
    %get3A_68 = arith.constant 0 : index
    %get3A_69 = arith.constant 0 : index
    %get3A_70 = vector.load %arg9[%get3A_68, %get3A_69] : memref<128x128xf32, #tpu.memory_space<vmem>>, vector<128x128xf32>
    %dot_general3A_71 = arith.constant dense<0.000000e+00> : vector<1792x128xf32>
    %dot_general3A_72 = tpu.matmul %mul3A_48, %get3A_70, %dot_general3A_71 {dimension_numbers = #tpu.dot_dimension_numbers<[1], [0], [0], [1], [0, 0, 1, 1], [], []>, transpose_lhs_hint = false} : vector<1792x128xf32>, vector<128x128xf32>, vector<1792x128xf32> -> vector<1792x128xf32>
    %add3A_73 = arith.addf %add3A_67, %dot_general3A_72 : vector<1792x128xf32>
    %get3A_74 = arith.constant 0 : index
    %get3A_75 = arith.constant 0 : index
    %get3A_76 = vector.load %arg10[%get3A_74, %get3A_75] : memref<1x128xf32, #tpu.memory_space<vmem>>, vector<1x128xf32>
    %add3A_77 = vector.broadcast %get3A_76 : vector<1x128xf32> to vector<1792x128xf32>
    %add3A_78 = arith.addf %add3A_73, %add3A_77 : vector<1792x128xf32>
    %max3A = arith.constant 0.000000e+00 : f32
    %max3A_79 = vector.broadcast %max3A : f32 to vector<1792x128xf32>
    %max3A_80 = arith.maximumf %add3A_78, %max3A_79 : vector<1792x128xf32>
    %get3A_81 = arith.constant 0 : index
    %get3A_82 = arith.constant 0 : index
    %get3A_83 = vector.load %arg11[%get3A_81, %get3A_82] : memref<128x128xf32, #tpu.memory_space<vmem>>, vector<128x128xf32>
    %dot_general3A_84 = arith.constant dense<0.000000e+00> : vector<1792x128xf32>
    %dot_general3A_85 = tpu.matmul %max3A_80, %get3A_83, %dot_general3A_84 {dimension_numbers = #tpu.dot_dimension_numbers<[1], [0], [0], [1], [0, 0, 1, 1], [], []>, transpose_lhs_hint = false} : vector<1792x128xf32>, vector<128x128xf32>, vector<1792x128xf32> -> vector<1792x128xf32>
    %get3A_86 = arith.constant 0 : index
    %get3A_87 = arith.constant 0 : index
    %get3A_88 = vector.load %arg12[%get3A_86, %get3A_87] : memref<1x128xf32, #tpu.memory_space<vmem>>, vector<1x128xf32>
    %add3A_89 = vector.broadcast %get3A_88 : vector<1x128xf32> to vector<1792x128xf32>
    %add3A_90 = arith.addf %dot_general3A_85, %add3A_89 : vector<1792x128xf32>
    %max3A_91 = arith.constant 0.000000e+00 : f32
    %max3A_92 = vector.broadcast %max3A_91 : f32 to vector<1792x128xf32>
    %max3A_93 = arith.maximumf %add3A_90, %max3A_92 : vector<1792x128xf32>
    %get3A_94 = arith.constant 0 : index
    %get3A_95 = arith.constant 0 : index
    %get3A_96 = vector.load %arg13[%get3A_94, %get3A_95] : memref<128x64xf32, #tpu.memory_space<vmem>>, vector<128x64xf32>
    %dot_general3A_97 = arith.constant dense<0.000000e+00> : vector<1792x64xf32>
    %dot_general3A_98 = tpu.matmul %max3A_93, %get3A_96, %dot_general3A_97 {dimension_numbers = #tpu.dot_dimension_numbers<[1], [0], [0], [1], [0, 0, 1, 1], [], []>, transpose_lhs_hint = false} : vector<1792x128xf32>, vector<128x64xf32>, vector<1792x64xf32> -> vector<1792x64xf32>
    %get3A_99 = arith.constant 0 : index
    %get3A_100 = arith.constant 0 : index
    %get3A_101 = vector.load %arg14[%get3A_99, %get3A_100] : memref<1x64xf32, #tpu.memory_space<vmem>>, vector<1x64xf32>
    %add3A_102 = vector.broadcast %get3A_101 : vector<1x64xf32> to vector<1792x64xf32>
    %add3A_103 = arith.addf %dot_general3A_98, %add3A_102 : vector<1792x64xf32>
    %get3A_104 = arith.constant 0 : index
    %get3A_105 = arith.constant 0 : index
    %get3A_106 = vector.load %arg15[%get3A_104, %get3A_105] : memref<64x8xf32, #tpu.memory_space<vmem>>, vector<64x8xf32>
    %dot_general3A_107 = arith.constant dense<0.000000e+00> : vector<1792x8xf32>
    %dot_general3A_108 = tpu.matmul %add3A_103, %get3A_106, %dot_general3A_107 {dimension_numbers = #tpu.dot_dimension_numbers<[1], [0], [0], [1], [0, 0, 1, 1], [], []>, transpose_lhs_hint = false} : vector<1792x64xf32>, vector<64x8xf32>, vector<1792x8xf32> -> vector<1792x8xf32>
    %get3A_109 = arith.constant 0 : index
    %get3A_110 = arith.constant 0 : index
    %get3A_111 = vector.load %arg16[%get3A_109, %get3A_110] : memref<1x8xf32, #tpu.memory_space<vmem>>, vector<1x8xf32>
    %add3A_112 = vector.broadcast %get3A_111 : vector<1x8xf32> to vector<1792x8xf32>
    %add3A_113 = arith.addf %dot_general3A_108, %add3A_112 : vector<1792x8xf32>
    %iota3A = tpu.iota {dimensions = array<i32: 1>} : vector<1792x8xi32>
    %lt3A = arith.constant 4 : i32
    %lt3A_114 = vector.broadcast %lt3A : i32 to vector<1792x8xi32>
    %lt3A_115 = arith.cmpi slt, %iota3A, %lt3A_114 : vector<1792x8xi32>
    %mul3A_116 = arith.mulf %add3A_113, %add3A_113 : vector<1792x8xf32>
    %jit3A = arith.constant 0.000000e+00 : f32
    %broadcast_in_dim3A = vector.broadcast %jit3A : f32 to vector<1792x8xf32>
    %select_n3A = arith.select %lt3A_115, %mul3A_116, %broadcast_in_dim3A : vector<1792x8xi1>, vector<1792x8xf32>
    %reduce_sum3A = arith.constant dense<0.000000e+00> : vector<1792xf32>
    %reduce_sum3A_117 = vector.multi_reduction <add>, %select_n3A, %reduce_sum3A [1] : vector<1792x8xf32> to vector<1792xf32>
    %broadcast_in_dim3A_118 = vector.shape_cast %reduce_sum3A_117 : vector<1792xf32> to vector<1792x1xf32>
    %sqrt3A = math.sqrt %broadcast_in_dim3A_118 : vector<1792x1xf32>
    %max3A_119 = arith.constant 9.99999996E-13 : f32
    %max3A_120 = vector.broadcast %max3A_119 : f32 to vector<1792x1xf32>
    %max3A_121 = arith.maximumf %sqrt3A, %max3A_120 : vector<1792x1xf32>
    %div3A_122 = vector.broadcast %max3A_121 : vector<1792x1xf32> to vector<1792x8xf32>
    %div3A_123 = arith.divf %add3A_113, %div3A_122 : vector<1792x8xf32>
    %select_n3A_124 = arith.select %lt3A_115, %div3A_123, %add3A_113 : vector<1792x8xi1>, vector<1792x8xf32>
    %swap3A = arith.constant 0 : index
    %swap3A_125 = arith.constant 0 : index
    %swap3A_126 = vector.load %arg17[%swap3A, %swap3A_125] : memref<1792x8xf32, #tpu.memory_space<vmem>>, vector<1792x8xf32>
    tpu.vector_store %arg17[%swap3A, %swap3A_125], %select_n3A_124 {strides = array<i32>} : memref<1792x8xf32, #tpu.memory_space<vmem>>, vector<1792x8xf32>,
    return
  }
  func.func @transform_0(%arg0: i32) -> (i32, i32) {
    %add3A = arith.constant 0 : i32
    %add3A_0 = arith.addi %arg0, %add3A : i32
    %c0_i32 = arith.constant 0 : i32
    %c0_i32_1 = arith.constant 0 : i32
    return %add3A_0, %c0_i32 : i32, i32
  }
  func.func @transform_1(%arg0: i32) -> (i32, i32) {
    %add3A = arith.constant 0 : i32
    %add3A_0 = arith.addi %arg0, %add3A : i32
    %c0_i32 = arith.constant 0 : i32
    %c0_i32_1 = arith.constant 0 : i32
    return %add3A_0, %c0_i32 : i32, i32
  }
  func.func @transform_2(%arg0: i32) -> (i32, i32) {
    %c0_i32 = arith.constant 0 : i32
    %c0_i32_0 = arith.constant 0 : i32
    return %arg0, %c0_i32 : i32, i32
  }
  func.func @transform_3(%arg0: i32) -> (i32, i32) {
    %c0_i32 = arith.constant 0 : i32
    %c0_i32_0 = arith.constant 0 : i32
    %c0_i32_1 = arith.constant 0 : i32
    return %c0_i32, %c0_i32_0 : i32, i32
  }
  func.func @transform_4(%arg0: i32) -> (i32, i32) {
    %c0_i32 = arith.constant 0 : i32
    %c0_i32_0 = arith.constant 0 : i32
    %c0_i32_1 = arith.constant 0 : i32
    return %c0_i32, %c0_i32_0 : i32, i32
  }
  func.func @transform_5(%arg0: i32) -> (i32, i32) {
    %c0_i32 = arith.constant 0 : i32
    %c0_i32_0 = arith.constant 0 : i32
    %c0_i32_1 = arith.constant 0 : i32
    return %c0_i32, %c0_i32_0 : i32, i32
  }
  func.func @transform_6(%arg0: i32) -> (i32, i32) {
    %c0_i32 = arith.constant 0 : i32
    %c0_i32_0 = arith.constant 0 : i32
    %c0_i32_1 = arith.constant 0 : i32
    return %c0_i32, %c0_i32_0 : i32, i32
  }
  func.func @transform_7(%arg0: i32) -> (i32, i32) {
    %c0_i32 = arith.constant 0 : i32
    %c0_i32_0 = arith.constant 0 : i32
    %c0_i32_1 = arith.constant 0 : i32
    return %c0_i32, %c0_i32_0 : i32, i32
  }
  func.func @transform_8(%arg0: i32) -> (i32, i32) {
    %c0_i32 = arith.constant 0 : i32
    %c0_i32_0 = arith.constant 0 : i32
    %c0_i32_1 = arith.constant 0 : i32
    return %c0_i32, %c0_i32_0 : i32, i32
  }
  func.func @transform_9(%arg0: i32) -> (i32, i32) {
    %c0_i32 = arith.constant 0 : i32
    %c0_i32_0 = arith.constant 0 : i32
    %c0_i32_1 = arith.constant 0 : i32
    return %c0_i32, %c0_i32_0 : i32, i32
  }
  func.func @transform_10(%arg0: i32) -> (i32, i32) {
    %c0_i32 = arith.constant 0 : i32
    %c0_i32_0 = arith.constant 0 : i32
    %c0_i32_1 = arith.constant 0 : i32
    return %c0_i32, %c0_i32_0 : i32, i32
  }
  func.func @transform_11(%arg0: i32) -> (i32, i32) {
    %c0_i32 = arith.constant 0 : i32
    %c0_i32_0 = arith.constant 0 : i32
    %c0_i32_1 = arith.constant 0 : i32
    return %c0_i32, %c0_i32_0 : i32, i32
  }
  func.func @transform_12(%arg0: i32) -> (i32, i32) {
    %c0_i32 = arith.constant 0 : i32
    %c0_i32_0 = arith.constant 0 : i32
    %c0_i32_1 = arith.constant 0 : i32
    return %c0_i32, %c0_i32_0 : i32, i32
  }
  func.func @transform_13(%arg0: i32) -> (i32, i32) {
    %c0_i32 = arith.constant 0 : i32
    %c0_i32_0 = arith.constant 0 : i32
    %c0_i32_1 = arith.constant 0 : i32
    return %c0_i32, %c0_i32_0 : i32, i32
  }
  func.func @transform_14(%arg0: i32) -> (i32, i32) {
    %c0_i32 = arith.constant 0 : i32
    %c0_i32_0 = arith.constant 0 : i32
    %c0_i32_1 = arith.constant 0 : i32
    return %c0_i32, %c0_i32_0 : i32, i32
  }
  func.func @transform_15(%arg0: i32) -> (i32, i32) {
    %c0_i32 = arith.constant 0 : i32
    %c0_i32_0 = arith.constant 0 : i32
    %c0_i32_1 = arith.constant 0 : i32
    return %c0_i32, %c0_i32_0 : i32, i32
  }
  func.func @transform_16(%arg0: i32) -> (i32, i32) {
    %c0_i32 = arith.constant 0 : i32
    %c0_i32_0 = arith.constant 0 : i32
    return %arg0, %c0_i32 : i32, i32
  }
}

</mosaic_0001>

<sc_bundles>
// kernel: kernel.12.cloned.1.call-start
scs
__scs_entry_jumppad:
0x0: {  	(pc) =	sbr.rel $0x88, $3  }
0x1: {  	(tag) =	ssettag $0x0;
	lr =	simm.s32 $0x1  }
0x2: {  	[smem:$0x3F8E] =	sst lr;
	_ =	strace $0xD0000000  }
0x3: {  	_ = 	snop  }
0x4: {  	_ = 	snop  }
0x5: {  	_ = 	snop  }
0x6: {  	_ = 	snop  }
0x7: {  	_ = 	snop  }
__scs_overlays_trampoline_lowered:
0x8: {  	[smem:$0x3F9D] =	sst s0  }
0x9: {  	[smem:$0x3F9E] =	sst s1  }
0xa: {  	[smem:$0x3F9F] =	sst s2  }
0xb: {  	[smem:$0x3FA0] =	sst s3  }
0xc: {  	[smem:$0x3FA1] =	sst s4  }
0xd: {  	[smem:$0x3FA2] =	sst s5  }
0xe: {  	[smem:$0x3FA3] =	sst s6  }
0xf: {  	[smem:$0x3FA4] =	sst s7  }
0x10: {  	[smem:$0x3FA5] =	sst s8  }
0x11: {  	[smem:$0x3FA6] =	sst s9;
	s0 =	simm.s32 @!p0 $0x0  }
0x12: {  	s1 =	sld [smem:$0x3F8C];
	s0 =	simm.s32 @p0 $0x1  }
0x13: {  	[smem:$0x3FA7] =	sst s0;
	s0 =	simm.s32 @!p1 $0x0  }
0x14: {  	s2 =	sld [smem:$0x3F8B];
	s0 =	simm.s32 @p1 $0x1  }
0x15: {  	[smem:$0x3FA8] =	sst s0;
	s0 =	simm.s32 @!p2 $0x0  }
0x16: {  	s3 =	sld [smem:$0x3FDB];
	s0 =	simm.s32 @p2 $0x1  }
0x17: {  	s4 =	simm.s32 $0x1BF5;
	[smem:$0x3FAA] =	sst s0  }
0x18: {  	s0 =	sld [smem:$0x3F8D];
	_ =	swait.ge [sflag:s4], $0x0  }
0x19: {  	s7 =	sld [smem:$0x3F8E]  }
0x1a: {  	s8 =	sadd.s32 $0xFFFFE003, lr  }
0x1b: {  	s9 =	sadd.s32 $0xFFFFFEF7, lr;
	s5 =	simm.s32 $0xFFFFFFFF;
	p2 =	slt.u32 s8, $0xFFFFF086  }
0x1c: {  	p1 =	slt.u32 s9, $0xF7A;
	s5 =	simm.s32 @!p2 $0x0  }
0x1d: {  	s5 =	simm.s32 @p1 $0x1;
	p0 =	seq.s32 s7, s2  }
0x1e: {  	s7 =	smul.u32 @!p0 $0xF7A, s2;
	p2 =	seq.s32 @!p0 s5, $0x0  }
0x1f: {  	s9 =	smul.u32 $0xF7A, s1;
	s8 =	simm.s32 @!p0 $0x1BF5;
	p2 =	por !p2, p0  }
0x20: {  	[sflag:s8] =	ssyncset.s32 @!p0 $0xFFFFF086;
	s6 =	sadd.s32 @!p0 s3, s7;
	s7 =	simm.s32 @!p0 $0x108  }
0x21: {  	s3 =	sadd.s32 s3, s9;
	s6 =	sadd.s32 @!p0 $0x88, s6;
	s7 =	simm.s32 @p2 $0x1082  }
0x22: {  	[simem:s7], [sflag:s8] =	dma.local @!p0 [hbm:s6], $0xF7A  }
0x23: {  	s9 =	sor.u32 $0xD0000000, s2;
	s6 =	simm.s32 $0x108;
	_ =	swait.ge @!p0 [sflag:s8], $0x0  }
0x24: {  	s3 =	sadd.s32 $0x88, s3;
	s6 =	simm.s32 @!p1 $0x1082;
	[sflag:s4] =	ssyncset.s32 $0xFFFFF086  }
0x25: {  	[simem:s6], [sflag:s4] =	dma.local [hbm:s3], $0xF7A  }
0x26: {  	[smem:$0x3F8E] =	sst s1;
	(tag) =	ssettag s2;
	_ =	strace s9  }
0x27: {  	s1 =	sld [smem:$0x3F9E]  }
0x28: {  	s2 =	sld [smem:$0x3F9F]  }
0x29: {  	s4 =	sld [smem:$0x3FA1]  }
0x2a: {  	p0 =	seq.s32 s5, $0x0;
	s5 =	sld [smem:$0x3FA2]  }
0x2b: {  	s6 =	sld [smem:$0x3FA3]  }
0x2c: {  	s7 =	sld [smem:$0x3FA4]  }
0x2d: {  	s3 =	simm.s32 $0x108;
	s8 =	sld [smem:$0x3FA5]  }
0x2e: {  	s3 =	simm.s32 @!p0 $0x1082;
	s9 =	sld [smem:$0x3FA6]  }
0x2f: {  	lr =	sadd.s32 s0, s3;
	s0 =	sld [smem:$0x3F9D]  }
0x30: {  	s3 =	sld [smem:$0x3FA0]  }
0x31: {  	[smem:$0x3FA9] =	sst s10  }
0x32: {  	s10 =	sld [smem:$0x3FA7];
	_ =	sdelay $0x3  }
0x33: {  	p0 =	seq.s32 s10, $0x1;
	s10 =	sld [smem:$0x3FA9];
	_ =	sdelay $0x3  }
0x34: {  	[smem:$0x3FA9] =	sst s10  }
0x35: {  	s10 =	sld [smem:$0x3FA8];
	_ =	sdelay $0x3  }
0x36: {  	p1 =	seq.s32 s10, $0x1;
	s10 =	sld [smem:$0x3FA9];
	_ =	sdelay $0x3  }
0x37: {  	[smem:$0x3FA9] =	sst s10  }
0x38: {  	s10 =	sld [smem:$0x3FAA]  }
0x39: {  	_ = 	snop;
	(pc) =	sbr.ind lr, $3  }
0x3a: {  	_ = 	snop  }
0x3b: {  	_ = 	snop  }
0x3c: {  	p2 =	seq.s32 s10, $0x1;
	s10 =	sld [smem:$0x3FA9]  }
0x3d: {  	_ =	shalt  }
0x3e: {  	_ =	shalt  }
0x3f: {  	_ =	shalt  }
0x40: {  	_ =	shalt  }
0x41: {  	_ =	shalt  }
0x42: {  	_ =	shalt  }
0x43: {  	_ =	shalt  }
0x44: {  	_ =	shalt  }
0x45: {  	_ =	shalt  }
0x46: {  	_ =	shalt  }
0x47: {  	_ =	shalt  }
0x48: {  	_ =	shalt  }
0x49: {  	_ =	shalt  }
0x4a: {  	_ =	shalt  }
0x4b: {  	_ =	shalt  }
0x4c: {  	_ =	shalt  }
0x4d: {  	_ =	shalt  }
0x4e: {  	_ =	shalt  }
0x4f: {  	_ =	shalt  }
0x50: {  	_ =	shalt  }
0x51: {  	_ =	shalt  }
0x52: {  	_ =	shalt  }
0x53: {  	_ =	shalt  }
0x54: {  	_ =	shalt  }
0x55: {  	_ =	shalt  }
0x56: {  	_ =	shalt  }
0x57: {  	_ =	shalt  }
0x58: {  	_ =	shalt  }
0x59: {  	_ =	shalt  }
0x5a: {  	_ =	shalt  }
0x5b: {  	_ =	shalt  }
0x5c: {  	_ =	shalt  }
0x5d: {  	_ =	shalt  }
0x5e: {  	_ =	shalt  }
0x5f: {  	_ =	shalt  }
0x60: {  	_ =	shalt  }
0x61: {  	_ =	shalt  }
0x62: {  	_ =	shalt  }
0x63: {  	_ =	shalt  }
0x64: {  	_ =	shalt  }
0x65: {  	_ =	shalt  }
0x66: {  	_ =	shalt  }
0x67: {  	_ =	shalt  }
0x68: {  	_ =	shalt  }
0x69: {  	_ =	shalt  }
0x6a: {  	_ =	shalt  }
0x6b: {  	_ =	shalt  }
0x6c: {  	_ =	shalt  }
0x6d: {  	_ =	shalt  }
0x6e: {  	_ =	shalt  }
0x6f: {  	_ =	shalt  }
0x70: {  	_ =	shalt  }
0x71: {  	_ =	shalt  }
0x72: {  	_ =	shalt  }
0x73: {  	_ =	shalt  }
0x74: {  	_ =	shalt  }
0x75: {  	_ =	shalt  }
0x76: {  	_ =	shalt  }
0x77: {  	_ =	shalt  }
0x78: {  	_ =	shalt  }
0x79: {  	_ =	shalt  }
0x7a: {  	_ =	shalt  }
0x7b: {  	_ =	shalt  }
0x7c: {  	_ =	shalt  }
0x7d: {  	_ =	shalt  }
0x7e: {  	_ =	shalt  }
0x7f: {  	_ =	shalt  }
0x80: {  	_ =	shalt  }
0x81: {  	_ =	shalt  }
0x82: {  	_ =	shalt  }
0x83: {  	_ =	shalt  }
0x84: {  	_ =	shalt  }
0x85: {  	_ =	shalt  }
0x86: {  	_ =	shalt  }
0x87: {  	_ =	shalt  }
.Lfunc_end0:
.L_simem_size_0:
called_computation.1_lowered:
.L_overlay_start_0:
0x88: {  	s2 =	sld [smem:$0x3FD9]  }
0x89: {  	s3 =	sld [smem:$0x3FFE];
	_ =	sdelay $0x1  }
0x8a: {  	s1 =	srdreg.scid  }
0x8b: {  	s0 =	sand.u32 $0x1, s1  }
0x8c: {  	s14 =	sshll.u32 s0, $0xA;
	s2 =	sadd.s32 s3, s2  }
0x8d: {  	s2 =	sadd.s32 s2, s14  }
0x8e: {  	[smem:$0x3FB5] =	sst s2  }
0x8f: {  	_ = 	snop  }
0x90: {  	s2 =	sld [smem:$0x3FD0];
	_ =	sdelay $0x2  }
0x91: {  	s15 =	simm.s32 $0xB;
	s4 =	simm.s32 $0x10  }
0x92: {  	[smem:s4], [sflag:s15] =	dma.local [hbm:s2], $0x1  }
0x93: {  	_ =	swait.eq [sflag:s15], $0x1  }
0x94: {  	[sflag:s15] =	ssyncset.done $0x0  }
0x95: {  	[sflag:s15] =	ssyncadd.s32 $0xFFFFFFFF  }
0x96: {  	s16 =	sld [smem:$0x10];
	(tm) =	ssettm $0x1  }
0x97: {  	s17 =	sld [smem:$0x3FFB];
	_ =	sdelay $0x3  }
0x98: {  	_ =	strace s17  }
0x99: {  	s3 =	sld [smem:$0x3FFC];
	_ =	sdelay $0x3  }
0x9a: {  	_ =	strace s3  }
0x9b: {  	s3 =	sld [smem:$0x3FFD];
	_ =	sdelay $0x3  }
0x9c: {  	_ =	strace s3  }
0x9d: {  	_ =	strace $0x8FFFFFFF  }
0x9e: {  	s18 =	sld [smem:$0x3FDB];
	_ =	sdelay $0x1  }
0x9f: {  	s19 =	simm.s32 $_scs_section_size  }
0xa0: {  	s5 =	simm.s32 $_size__tile_overlayer_lowered;
	s6 =	simm.s32 $_tile_overlayer_lowered  }
0xa1: {  	s22 =	simm.s32 $0x1BFF;
	s21 =	sshll.u32 s6, $0x1;
	s3 =	sadd.s32 s19, s18  }
0xa2: {  	s7 =	simm.s32 $0x0;
	s20 =	sshll.u32 s5, $0x1;
	s5 =	sadd.s32 s21, s3  }
0xa3: {  	[timem:s7], [sflag:s22] =	dma.local [hbm:s5], s20  }
0xa4: {  	_ =	swait.ge [sflag:s22], s20  }
0xa5: {  	s4 =	ssub.s32 $0x0, s20;
	[sflag:s22] =	ssyncset.done $0x0  }
0xa6: {  	[sflag:s22] =	ssyncadd.s32 s4;
	_ =	sdelay $0x1  }
0xa7: {  	s23 =	simm.s32 $0x1B8B  }
0xa8: {  	_ =	swait.ge [sflag:s23], $0x1  }
0xa9: {  	[sflag:s23] =	ssyncset.done $0x0  }
0xaa: {  	s25 =	simm.s32 $0x1B8E;
	s24 =	sld [smem:$0x3FFE];
	[sflag:s23] =	ssyncadd.s32 $0xFFFFFFFF  }
0xab: {  	s26 =	simm.s32 $execute0_lowered;
	[smem:$0x3FD2] =	sst s25  }
0xac: {  	s5 =	sshll.u32 s26, $0x1;
	_ =	strace $0x80000046;
	[dreg:$0x1] =	wrdreg $0xFFFFFFFF  }
0xad: {  	s28 =	simm.s32 $_size_execute0_lowered;
	s3 =	sadd.s32 s3, s5;
	[dreg:$0x0] =	wrdreg $0x0  }
0xae: {  	s5 =	sshll.u32 s28, $0x1;
	[dreg:$0x2] =	wrdreg s3  }
0xaf: {  	[dreg:$0x3] =	wrdreg s5  }
0xb0: {  	[dreg:$0x4] =	wrdreg $0xC0  }
0xb1: {  	_ =	task [dreg:s7], $0x5FFFF  }
0xb2: {  	[dreg:$0x1] =	wrdreg $0xFFFFFFFF  }
0xb3: {  	[dreg:$0x0] =	wrdreg $0x60  }
0xb4: {  	[dreg:$0x2] =	wrdreg s24  }
0xb5: {  	[dreg:$0x3] =	wrdreg s16  }
0xb6: {  	[dreg:$0x4] =	wrdreg $0xA  }
0xb7: {  	_ =	task.clear_ibuf [dreg:s7], $0x5FFFF;
	_ =	strace $0x90000046  }
0xb8: {  	s29 =	simm.s32 $0xA;
	_ =	strace $0x80000048  }
0xb9: {  	_ =	swait.ge [sflag:s29], $0x1  }
0xba: {  	[sflag:s29] =	ssyncadd.s32 $0xFFFFFFFF  }
0xbb: {  	_ =	strace $0x90000048  }
0xbc: {  	_ =	sfence  }
0xbd: {  	s30 =	sld [smem:$0x0];
	_ =	sdelay $0x2  }
0xbe: {  	s31 =	sshll.u32 s1, $0xD;
	s1 =	sshrl.u32 s1, $0x2  }
0xbf: {  	s3 =	sand.u32 $0x4000, s31;
	s1 =	sadd.s32 s1, s30  }
0xc0: {  	s0 =	sor.u32 s3, s0;
	s1 =	sshll.u32 s1, $0x11  }
0xc1: {  	s0 =	sor.u32 s1, s0  }
0xc2: {  	s0 =	sadd.s32 $0x8F2B, s0  }
0xc3: {  	[sflag:s0] =	ssyncadd.remote.s32 $0x1  }
0xc4: {  	_ =	sfence.sel $0xFFFF  }
0xc5: {  	[dreg:$0x0] =	wrdreg $0xFFFFFFFF;
	(pc) =	sbr.abs _section_cstart, $3  }
0xc6: {  	[dreg:$0x1] =	wrdreg $0xFFFFFFFF  }
0xc7: {  	_ =	task.clear_ibuf [dreg:s7], $0x2FFFF;
	_ =	strace $0x9FFFFFFF  }
0xc8: {  	(tm) =	ssettm $0x7FFFFFFF  }
0xc9: {  	_ =	shalt  }
tec
execute0_lowered:
.L_overlay_start_1:
0x0: {  	(tag) =	ssettag $0x1  }
0x1: {  	s1 =	srdreg.scid;
	s0 =	stileid.u32  }
0x2: {  	s18 =	sand.u32 $0x1, s1;
	s25 =	sshll.u32 s0, $0x1  }
0x3: {  	s12 =	rddreg [dreg:$0x0];
	s13 =	sor.u32 s18, s25  }
0x4: {  	s16 =	rddreg [dreg:$0x1];
	s17 =	smul.u32 $0x620, s13  }
0x5: {  	s2 =	simm.s32 $0x0;
	s1 =	rddreg [dreg:$0x2]  }
0x6: {  	[smem:$0x7FF] =	sst s2;
	s3 =	sshrl.u32 s17, $0x3  }
0x7: {  	_ =	strace $0x80000047;
	s4 =	sadd.s32 s16, s3;
	s3 =	simm.s32 $0x3  }
0x8: {  	[tilespmem:s2], [sflag:$0x3] =	stream.linear.gather [hbm4b:s4+s2], $0x188, $0x38;
	[tilespmem:$0x18C00] =	vst v63  }
0x9: {  	s6 =	simm.s32 $0x188;
	_ =	swait.ge [sflag:s3], $0x188  }
0xa: {  	s7 =	simm.s32 $0x400;
	s15 =	sadd.s32 $0x188, s17;
	[sflag:s3] =	ssyncset.done $0x0  }
0xb: {  	s5 =	sadd.s32 $0x2C00, s12;
	s8 =	sshrl.u32 s15, $0x3;
	[sflag:s3] =	ssyncadd.s32 $0xFFFFFE78  }
0xc: {  	[tilespmem:s7], [sflag:$0x1] =	stream.indirect.gather [hbm4b:s5+s6], $0x80, s2, s6, $0xb8;
	[tilespmem:$0x18C00] =	vst v63  }
0xd: {  	s9 =	simm.s32 $0x200;
	s8 =	sadd.s32 s16, s8  }
0xe: {  	[tilespmem:s9], [sflag:$0x3] =	stream.linear.gather [hbm4b:s8+s2], $0x188, $0x38;
	[tilespmem:$0x18C00] =	vst v63  }
0xf: {  	_ =	swait.ge [sflag:s3], $0x188  }
0x10: {  	[sflag:s3] =	ssyncset.done $0x0  }
0x11: {  	s10 =	simm.s32 $0xC800;
	s11 =	simm.s32 $0x1;
	[sflag:s3] =	ssyncadd.s32 $0xFFFFFE78  }
0x12: {  	[tilespmem:s10], [sflag:$0x2] =	stream.indirect.gather [hbm4b:s5+s6], $0x80, s9, s6, $0xb8;
	[tilespmem:$0x18C00] =	vst v63  }
0x13: {  	s13 =	smul.u32 $0x6200, s13;
	_ =	swait.ge [sflag:s11], $0xC400  }
0x14: {  	s19 =	sadd.s32 $0x1DC00, s12;
	[sflag:s11] =	ssyncset.done $0x0  }
0x15: {  	s12 =	sadd.s32 s19, s13;
	[sflag:s11] =	ssyncadd.s32 $0xFFFF3C00  }
0x16: {  	[hbm4b:s12+s2] =	stream.linear.scatter [tilespmem:s7], [sflag:$0x3], $0xC400, $0x38;
	[tilespmem:$0x18C00] =	vst v63  }
0x17: {  	s20 =	sadd.s32 $0x310, s17;
	_ =	swait.ge [sflag:s3], $0xC400  }
0x18: {  	s26 =	sshrl.u32 s20, $0x3;
	[sflag:s3] =	ssyncset.done $0x0  }
0x19: {  	s13 =	sadd.s32 s16, s26;
	[sflag:s3] =	ssyncadd.s32 $0xFFFF3C00  }
0x1a: {  	[tilespmem:s2], [sflag:$0x3] =	stream.linear.gather [hbm4b:s13+s2], $0x188, $0x38;
	[tilespmem:$0x18C00] =	vst v63  }
0x1b: {  	_ =	swait.ge [sflag:s3], $0x188  }
0x1c: {  	[sflag:s3] =	ssyncset.done $0x0  }
0x1d: {  	s14 =	simm.s32 $0x2;
	[sflag:s3] =	ssyncadd.s32 $0xFFFFFE78  }
0x1e: {  	[tilespmem:s7], [sflag:$0x1] =	stream.indirect.gather [hbm4b:s5+s6], $0x80, s2, s6, $0xb8;
	[tilespmem:$0x18C00] =	vst v63  }
0x1f: {  	_ =	swait.ge [sflag:s14], $0xC400  }
0x20: {  	s15 =	sshll.u32 s15, $0x4;
	[sflag:s14] =	ssyncset.done $0x0  }
0x21: {  	s15 =	sadd.s32 s19, s15;
	[sflag:s14] =	ssyncadd.s32 $0xFFFF3C00  }
0x22: {  	[hbm4b:s15+s2] =	stream.linear.scatter [tilespmem:s10], [sflag:$0x3], $0xC400, $0x38;
	[tilespmem:$0x18C00] =	vst v63  }
0x23: {  	s21 =	sadd.s32 $0x498, s17;
	_ =	swait.ge [sflag:s3], $0xC400  }
0x24: {  	s17 =	sshrl.u32 s21, $0x3;
	[sflag:s3] =	ssyncset.done $0x0  }
0x25: {  	s16 =	sadd.s32 s16, s17;
	[sflag:s3] =	ssyncadd.s32 $0xFFFF3C00  }
0x26: {  	[tilespmem:s9], [sflag:$0x3] =	stream.linear.gather [hbm4b:s16+s2], $0x188, $0x38;
	[tilespmem:$0x18C00] =	vst v63  }
0x27: {  	_ =	swait.ge [sflag:s3], $0x188  }
0x28: {  	[sflag:s3] =	ssyncset.done $0x0  }
0x29: {  	[sflag:s3] =	ssyncadd.s32 $0xFFFFFE78  }
0x2a: {  	[tilespmem:s10], [sflag:$0x2] =	stream.indirect.gather [hbm4b:s5+s6], $0x80, s9, s6, $0xb8;
	[tilespmem:$0x18C00] =	vst v63  }
0x2b: {  	_ =	swait.ge [sflag:s11], $0xC400  }
0x2c: {  	s28 =	sshll.u32 s20, $0x4;
	[sflag:s11] =	ssyncset.done $0x0  }
0x2d: {  	s18 =	ssub.s32 $0x2, s18;
	s17 =	sadd.s32 s19, s28;
	[sflag:s11] =	ssyncadd.s32 $0xFFFF3C00  }
0x2e: {  	[hbm4b:s17+s2] =	stream.linear.scatter [tilespmem:s7], [sflag:$0x3], $0xC400, $0x38;
	[tilespmem:$0x18C00] =	vst v63  }
0x2f: {  	s29 =	sshrl.u32 s18, $0x1;
	_ =	swait.ge [sflag:s3], $0xC400  }
0x30: {  	s20 =	ssub.s32 s18, s29;
	[sflag:s3] =	ssyncset.done $0x0  }
0x31: {  	s31 =	smax.u32 s20, $0x1;
	[sflag:s3] =	ssyncadd.s32 $0xFFFF3C00  }
0x32: {  	p0 =	sne.s32 s31, $0x1;
	_ =	swait.ge [sflag:s14], $0xC400  }
.Ltmp0:
0x33: {  	s30 =	sshll.u32 s21, $0x4;
	[sflag:s14] =	ssyncset.done $0x0;
	(pc) =	sbr.rel @!p0 .LBB2_2-.Ltmp0, $4  }
0x34: {  	s18 =	sadd.s32 s19, s30;
	[sflag:s14] =	ssyncadd.s32 $0xFFFF3C00  }
0x35: {  	[hbm4b:s18+s2] =	stream.linear.scatter [tilespmem:s10], [sflag:$0x3], $0xC400, $0x38;
	[tilespmem:$0x18C00] =	vst v63  }
0x36: {  	_ =	swait.ge [sflag:s3], $0xC400  }
0x37: {  	s19 =	sadd.s32 $0xFFFFFFFF, s31;
	[sflag:s3] =	ssyncset.done $0x0  }
.LBB2_1:
0x38: {  	p0 =	sne.s32 s19, $0x1;
	s19 =	sadd.s32 $0xFFFFFFFF, s19;
	[sflag:s3] =	ssyncadd.s32 $0xFFFF3C00  }
0x39: {  	[tilespmem:s2], [sflag:$0x3] =	stream.linear.gather [hbm4b:s4+s2], $0x188, $0x38;
	[tilespmem:$0x18C00] =	vst v63  }
0x3a: {  	_ =	swait.ge [sflag:s3], $0x188  }
0x3b: {  	[sflag:s3] =	ssyncset.done $0x0  }
0x3c: {  	[sflag:s3] =	ssyncadd.s32 $0xFFFFFE78  }
0x3d: {  	[tilespmem:s7], [sflag:$0x1] =	stream.indirect.gather [hbm4b:s5+s6], $0x80, s2, s6, $0xb8;
	[tilespmem:$0x18C00] =	vst v63  }
0x3e: {  	_ = 	snop  }
0x3f: {  	[tilespmem:s9], [sflag:$0x3] =	stream.linear.gather [hbm4b:s8+s2], $0x188, $0x38;
	[tilespmem:$0x18C00] =	vst v63  }
0x40: {  	_ =	swait.ge [sflag:s3], $0x188  }
0x41: {  	[sflag:s3] =	ssyncset.done $0x0  }
0x42: {  	[sflag:s3] =	ssyncadd.s32 $0xFFFFFE78  }
0x43: {  	[tilespmem:s10], [sflag:$0x2] =	stream.indirect.gather [hbm4b:s5+s6], $0x80, s9, s6, $0xb8;
	[tilespmem:$0x18C00] =	vst v63  }
0x44: {  	_ =	swait.ge [sflag:s11], $0xC400  }
0x45: {  	[sflag:s11] =	ssyncset.done $0x0  }
0x46: {  	[sflag:s11] =	ssyncadd.s32 $0xFFFF3C00  }
0x47: {  	[hbm4b:s12+s2] =	stream.linear.scatter [tilespmem:s7], [sflag:$0x3], $0xC400, $0x38;
	[tilespmem:$0x18C00] =	vst v63  }
0x48: {  	_ =	swait.ge [sflag:s3], $0xC400  }
0x49: {  	[sflag:s3] =	ssyncset.done $0x0  }
0x4a: {  	[sflag:s3] =	ssyncadd.s32 $0xFFFF3C00  }
0x4b: {  	[tilespmem:s2], [sflag:$0x3] =	stream.linear.gather [hbm4b:s13+s2], $0x188, $0x38;
	[tilespmem:$0x18C00] =	vst v63  }
0x4c: {  	_ =	swait.ge [sflag:s3], $0x188  }
0x4d: {  	[sflag:s3] =	ssyncset.done $0x0  }
0x4e: {  	[sflag:s3] =	ssyncadd.s32 $0xFFFFFE78  }
0x4f: {  	[tilespmem:s7], [sflag:$0x1] =	stream.indirect.gather [hbm4b:s5+s6], $0x80, s2, s6, $0xb8;
	[tilespmem:$0x18C00] =	vst v63  }
0x50: {  	_ =	swait.ge [sflag:s14], $0xC400  }
0x51: {  	[sflag:s14] =	ssyncset.done $0x0  }
0x52: {  	[sflag:s14] =	ssyncadd.s32 $0xFFFF3C00  }
0x53: {  	[hbm4b:s15+s2] =	stream.linear.scatter [tilespmem:s10], [sflag:$0x3], $0xC400, $0x38;
	[tilespmem:$0x18C00] =	vst v63  }
0x54: {  	_ =	swait.ge [sflag:s3], $0xC400  }
0x55: {  	[sflag:s3] =	ssyncset.done $0x0  }
0x56: {  	[sflag:s3] =	ssyncadd.s32 $0xFFFF3C00  }
0x57: {  	[tilespmem:s9], [sflag:$0x3] =	stream.linear.gather [hbm4b:s16+s2], $0x188, $0x38;
	[tilespmem:$0x18C00] =	vst v63  }
0x58: {  	_ =	swait.ge [sflag:s3], $0x188  }
0x59: {  	[sflag:s3] =	ssyncset.done $0x0  }
0x5a: {  	[sflag:s3] =	ssyncadd.s32 $0xFFFFFE78  }
0x5b: {  	[tilespmem:s10], [sflag:$0x2] =	stream.indirect.gather [hbm4b:s5+s6], $0x80, s9, s6, $0xb8;
	[tilespmem:$0x18C00] =	vst v63  }
0x5c: {  	_ =	swait.ge [sflag:s11], $0xC400  }
0x5d: {  	[sflag:s11] =	ssyncset.done $0x0  }
0x5e: {  	[sflag:s11] =	ssyncadd.s32 $0xFFFF3C00  }
0x5f: {  	[hbm4b:s17+s2] =	stream.linear.scatter [tilespmem:s7], [sflag:$0x3], $0xC400, $0x38;
	[tilespmem:$0x18C00] =	vst v63  }
0x60: {  	_ =	swait.ge [sflag:s3], $0xC400  }
0x61: {  	[sflag:s3] =	ssyncset.done $0x0  }
0x62: {  	[sflag:s3] =	ssyncadd.s32 $0xFFFF3C00  }
0x63: {  	_ =	swait.ge [sflag:s14], $0xC400  }
.Ltmp1:
0x64: {  	[sflag:s14] =	ssyncset.done $0x0;
	(pc) =	sbr.rel @p0 .LBB2_1-.Ltmp1, $4  }
0x65: {  	[sflag:s14] =	ssyncadd.s32 $0xFFFF3C00  }
0x66: {  	[hbm4b:s18+s2] =	stream.linear.scatter [tilespmem:s10], [sflag:$0x3], $0xC400, $0x38;
	[tilespmem:$0x18C00] =	vst v63  }
0x67: {  	_ =	swait.ge [sflag:s3], $0xC400  }
0x68: {  	[sflag:s3] =	ssyncset.done $0x0  }
.LBB2_2:
0x69: {  	[sflag:s3] =	ssyncadd.s32 $0xFFFF3C00  }
0x6a: {  	_ =	sfence.sel $0x180000  }
0x6b: {  	[bflag:$0x0] =	sbarrier.arrive $0xFFFF  }
0x6c: {  	p0 =	sne.s32 s0, $0x0;
	_ =	strace $0x90000047  }
0x6d: {  	s0 =	sadd.s32 @!p0 $0x100000, s1;
	[bflag:$0x2] =	sbarrier.arrive $0xFFFF  }
0x6e: {  	[sflag:s0] =	ssyncadd.tile.s32 @!p0 $0x1;
	_ =	shalt  }
.Lfunc_end2:
_tile_overlayer_lowered:
.L_overlay_start_2:
0x6f: {  	(tag) =	ssettag $0x2  }
0x70: {  	s0 =	rddreg [dreg:$0x0];
	s2 =	stileid.u32  }
0x71: {  	s1 =	rddreg [dreg:$0x1];
	p0 =	sne.s32 s2, $0x0  }
0x72: {  	s3 =	rddreg [dreg:$0x2];
	[bflag:$0x3] =	sbarrier.arrive $0xFFFF;
	s2 =	simm.s32 @!p0 $0x1C03  }
0x73: {  	[timem:s3], [sflag:s2] =	dma.local @!p0 [hbm:s0], s1  }
0x74: {  	s0 =	simm.s32 @!p0 $0x3  }
0x75: {  	_ =	swait.ge @!p0 [sflag:s0], s1  }
0x76: {  	s1 =	ssub.s32 @!p0 $0x0, s1;
	[sflag:s0] =	ssyncset.done @!p0 $0x0  }
0x77: {  	[sflag:s0] =	ssyncadd.s32 @!p0 s1  }
0x78: {  	[bflag:$0x3] =	sbarrier.arrive $0xFFFF  }
0x79: {  	_ =	shalt  }

// kernel: kernel.9.cloned.1.call-start
scs
__scs_entry_jumppad:
0x0: {  	(pc) =	sbr.rel $0x88, $3  }
0x1: {  	(tag) =	ssettag $0x0;
	lr =	simm.s32 $0x1  }
0x2: {  	[smem:$0x3F8E] =	sst lr;
	_ =	strace $0xD0000000  }
0x3: {  	_ = 	snop  }
0x4: {  	_ = 	snop  }
0x5: {  	_ = 	snop  }
0x6: {  	_ = 	snop  }
0x7: {  	_ = 	snop  }
__scs_overlays_trampoline_lowered:
0x8: {  	[smem:$0x3F9D] =	sst s0  }
0x9: {  	[smem:$0x3F9E] =	sst s1  }
0xa: {  	[smem:$0x3F9F] =	sst s2  }
0xb: {  	[smem:$0x3FA0] =	sst s3  }
0xc: {  	[smem:$0x3FA1] =	sst s4  }
0xd: {  	[smem:$0x3FA2] =	sst s5  }
0xe: {  	[smem:$0x3FA3] =	sst s6  }
0xf: {  	[smem:$0x3FA4] =	sst s7  }
0x10: {  	[smem:$0x3FA5] =	sst s8  }
0x11: {  	[smem:$0x3FA6] =	sst s9;
	s0 =	simm.s32 @!p0 $0x0  }
0x12: {  	s1 =	sld [smem:$0x3F8C];
	s0 =	simm.s32 @p0 $0x1  }
0x13: {  	[smem:$0x3FA7] =	sst s0;
	s0 =	simm.s32 @!p1 $0x0  }
0x14: {  	s2 =	sld [smem:$0x3F8B];
	s0 =	simm.s32 @p1 $0x1  }
0x15: {  	[smem:$0x3FA8] =	sst s0;
	s0 =	simm.s32 @!p2 $0x0  }
0x16: {  	s3 =	sld [smem:$0x3FDB];
	s0 =	simm.s32 @p2 $0x1  }
0x17: {  	s4 =	simm.s32 $0x1BF5;
	[smem:$0x3FAA] =	sst s0  }
0x18: {  	s0 =	sld [smem:$0x3F8D];
	_ =	swait.ge [sflag:s4], $0x0  }
0x19: {  	s7 =	sld [smem:$0x3F8E]  }
0x1a: {  	s8 =	sadd.s32 $0xFFFFE003, lr  }
0x1b: {  	s9 =	sadd.s32 $0xFFFFFEF7, lr;
	s5 =	simm.s32 $0xFFFFFFFF;
	p2 =	slt.u32 s8, $0xFFFFF086  }
0x1c: {  	p1 =	slt.u32 s9, $0xF7A;
	s5 =	simm.s32 @!p2 $0x0  }
0x1d: {  	s5 =	simm.s32 @p1 $0x1;
	p0 =	seq.s32 s7, s2  }
0x1e: {  	s7 =	smul.u32 @!p0 $0xF7A, s2;
	p2 =	seq.s32 @!p0 s5, $0x0  }
0x1f: {  	s9 =	smul.u32 $0xF7A, s1;
	s8 =	simm.s32 @!p0 $0x1BF5;
	p2 =	por !p2, p0  }
0x20: {  	[sflag:s8] =	ssyncset.s32 @!p0 $0xFFFFF086;
	s6 =	sadd.s32 @!p0 s3, s7;
	s7 =	simm.s32 @!p0 $0x108  }
0x21: {  	s3 =	sadd.s32 s3, s9;
	s6 =	sadd.s32 @!p0 $0x88, s6;
	s7 =	simm.s32 @p2 $0x1082  }
0x22: {  	[simem:s7], [sflag:s8] =	dma.local @!p0 [hbm:s6], $0xF7A  }
0x23: {  	s9 =	sor.u32 $0xD0000000, s2;
	s6 =	simm.s32 $0x108;
	_ =	swait.ge @!p0 [sflag:s8], $0x0  }
0x24: {  	s3 =	sadd.s32 $0x88, s3;
	s6 =	simm.s32 @!p1 $0x1082;
	[sflag:s4] =	ssyncset.s32 $0xFFFFF086  }
0x25: {  	[simem:s6], [sflag:s4] =	dma.local [hbm:s3], $0xF7A  }
0x26: {  	[smem:$0x3F8E] =	sst s1;
	(tag) =	ssettag s2;
	_ =	strace s9  }
0x27: {  	s1 =	sld [smem:$0x3F9E]  }
0x28: {  	s2 =	sld [smem:$0x3F9F]  }
0x29: {  	s4 =	sld [smem:$0x3FA1]  }
0x2a: {  	p0 =	seq.s32 s5, $0x0;
	s5 =	sld [smem:$0x3FA2]  }
0x2b: {  	s6 =	sld [smem:$0x3FA3]  }
0x2c: {  	s7 =	sld [smem:$0x3FA4]  }
0x2d: {  	s3 =	simm.s32 $0x108;
	s8 =	sld [smem:$0x3FA5]  }
0x2e: {  	s3 =	simm.s32 @!p0 $0x1082;
	s9 =	sld [smem:$0x3FA6]  }
0x2f: {  	lr =	sadd.s32 s0, s3;
	s0 =	sld [smem:$0x3F9D]  }
0x30: {  	s3 =	sld [smem:$0x3FA0]  }
0x31: {  	[smem:$0x3FA9] =	sst s10  }
0x32: {  	s10 =	sld [smem:$0x3FA7];
	_ =	sdelay $0x3  }
0x33: {  	p0 =	seq.s32 s10, $0x1;
	s10 =	sld [smem:$0x3FA9];
	_ =	sdelay $0x3  }
0x34: {  	[smem:$0x3FA9] =	sst s10  }
0x35: {  	s10 =	sld [smem:$0x3FA8];
	_ =	sdelay $0x3  }
0x36: {  	p1 =	seq.s32 s10, $0x1;
	s10 =	sld [smem:$0x3FA9];
	_ =	sdelay $0x3  }
0x37: {  	[smem:$0x3FA9] =	sst s10  }
0x38: {  	s10 =	sld [smem:$0x3FAA]  }
0x39: {  	_ = 	snop;
	(pc) =	sbr.ind lr, $3  }
0x3a: {  	_ = 	snop  }
0x3b: {  	_ = 	snop  }
0x3c: {  	p2 =	seq.s32 s10, $0x1;
	s10 =	sld [smem:$0x3FA9]  }
0x3d: {  	_ =	shalt  }
0x3e: {  	_ =	shalt  }
0x3f: {  	_ =	shalt  }
0x40: {  	_ =	shalt  }
0x41: {  	_ =	shalt  }
0x42: {  	_ =	shalt  }
0x43: {  	_ =	shalt  }
0x44: {  	_ =	shalt  }
0x45: {  	_ =	shalt  }
0x46: {  	_ =	shalt  }
0x47: {  	_ =	shalt  }
0x48: {  	_ =	shalt  }
0x49: {  	_ =	shalt  }
0x4a: {  	_ =	shalt  }
0x4b: {  	_ =	shalt  }
0x4c: {  	_ =	shalt  }
0x4d: {  	_ =	shalt  }
0x4e: {  	_ =	shalt  }
0x4f: {  	_ =	shalt  }
0x50: {  	_ =	shalt  }
0x51: {  	_ =	shalt  }
0x52: {  	_ =	shalt  }
0x53: {  	_ =	shalt  }
0x54: {  	_ =	shalt  }
0x55: {  	_ =	shalt  }
0x56: {  	_ =	shalt  }
0x57: {  	_ =	shalt  }
0x58: {  	_ =	shalt  }
0x59: {  	_ =	shalt  }
0x5a: {  	_ =	shalt  }
0x5b: {  	_ =	shalt  }
0x5c: {  	_ =	shalt  }
0x5d: {  	_ =	shalt  }
0x5e: {  	_ =	shalt  }
0x5f: {  	_ =	shalt  }
0x60: {  	_ =	shalt  }
0x61: {  	_ =	shalt  }
0x62: {  	_ =	shalt  }
0x63: {  	_ =	shalt  }
0x64: {  	_ =	shalt  }
0x65: {  	_ =	shalt  }
0x66: {  	_ =	shalt  }
0x67: {  	_ =	shalt  }
0x68: {  	_ =	shalt  }
0x69: {  	_ =	shalt  }
0x6a: {  	_ =	shalt  }
0x6b: {  	_ =	shalt  }
0x6c: {  	_ =	shalt  }
0x6d: {  	_ =	shalt  }
0x6e: {  	_ =	shalt  }
0x6f: {  	_ =	shalt  }
0x70: {  	_ =	shalt  }
0x71: {  	_ =	shalt  }
0x72: {  	_ =	shalt  }
0x73: {  	_ =	shalt  }
0x74: {  	_ =	shalt  }
0x75: {  	_ =	shalt  }
0x76: {  	_ =	shalt  }
0x77: {  	_ =	shalt  }
0x78: {  	_ =	shalt  }
0x79: {  	_ =	shalt  }
0x7a: {  	_ =	shalt  }
0x7b: {  	_ =	shalt  }
0x7c: {  	_ =	shalt  }
0x7d: {  	_ =	shalt  }
0x7e: {  	_ =	shalt  }
0x7f: {  	_ =	shalt  }
0x80: {  	_ =	shalt  }
0x81: {  	_ =	shalt  }
0x82: {  	_ =	shalt  }
0x83: {  	_ =	shalt  }
0x84: {  	_ =	shalt  }
0x85: {  	_ =	shalt  }
0x86: {  	_ =	shalt  }
0x87: {  	_ =	shalt  }
.Lfunc_end0:
.L_simem_size_0:
called_computation_lowered:
.L_overlay_start_0:
0x88: {  	s2 =	sld [smem:$0x3FD9]  }
0x89: {  	s3 =	sld [smem:$0x3FFE];
	_ =	sdelay $0x1  }
0x8a: {  	s1 =	srdreg.scid  }
0x8b: {  	s0 =	sand.u32 $0x1, s1  }
0x8c: {  	s15 =	sshll.u32 s0, $0xA;
	s2 =	sadd.s32 s3, s2  }
0x8d: {  	s2 =	sadd.s32 s2, s15  }
0x8e: {  	[smem:$0x3FB5] =	sst s2  }
0x8f: {  	_ = 	snop  }
0x90: {  	s2 =	sld [smem:$0x3FD0];
	_ =	sdelay $0x2  }
0x91: {  	s16 =	simm.s32 $0xB;
	s4 =	simm.s32 $0x10  }
0x92: {  	[smem:s4], [sflag:s16] =	dma.local [hbm:s2], $0x1  }
0x93: {  	_ =	swait.eq [sflag:s16], $0x1  }
0x94: {  	[sflag:s16] =	ssyncset.done $0x0  }
0x95: {  	[sflag:s16] =	ssyncadd.s32 $0xFFFFFFFF  }
0x96: {  	s17 =	sld [smem:$0x11];
	(tm) =	ssettm $0x1  }
0x97: {  	s18 =	sld [smem:$0x3FFB];
	_ =	sdelay $0x3  }
0x98: {  	_ =	strace s18  }
0x99: {  	s2 =	sld [smem:$0x3FFC];
	_ =	sdelay $0x3  }
0x9a: {  	_ =	strace s2  }
0x9b: {  	s2 =	sld [smem:$0x3FFD];
	_ =	sdelay $0x3  }
0x9c: {  	_ =	strace s2  }
0x9d: {  	_ =	strace $0x8FFFFFFF  }
0x9e: {  	s19 =	sld [smem:$0x3FDB];
	_ =	sdelay $0x1  }
0x9f: {  	s20 =	simm.s32 $_scs_section_size  }
0xa0: {  	s5 =	simm.s32 $_size__tile_overlayer_lowered;
	s6 =	simm.s32 $_tile_overlayer_lowered  }
0xa1: {  	s7 =	simm.s32 $0x1BFF;
	s21 =	sshll.u32 s6, $0x1;
	s4 =	sadd.s32 s20, s19  }
0xa2: {  	s22 =	simm.s32 $0x0;
	s5 =	sshll.u32 s5, $0x1;
	s6 =	sadd.s32 s21, s4  }
0xa3: {  	[timem:s22], [sflag:s7] =	dma.local [hbm:s6], s5  }
0xa4: {  	_ =	swait.ge [sflag:s7], s5  }
0xa5: {  	s5 =	ssub.s32 $0x0, s5;
	[sflag:s7] =	ssyncset.done $0x0  }
0xa6: {  	[sflag:s7] =	ssyncadd.s32 s5;
	_ =	sdelay $0x1  }
0xa7: {  	s23 =	simm.s32 $0x1B8B  }
0xa8: {  	_ =	swait.ge [sflag:s23], $0x1  }
0xa9: {  	[sflag:s23] =	ssyncset.done $0x0  }
0xaa: {  	[sflag:s23] =	ssyncadd.s32 $0xFFFFFFFF  }
0xab: {  	s5 =	sld [smem:$0x0]  }
0xac: {  	s6 =	sand.u32 $0xFFFFFFFE, s1  }
0xad: {  	p0 =	sne.s32 s1, s6  }
0xae: {  	s6 =	sshll.u32 @p0 s6, $0xE  }
0xaf: {  	s6 =	sadd.s32 @p0 $0x11B8D, s6;
	s7 =	sshll.u32 @p0 s5, $0x11  }
0xb0: {  	s6 =	sor.u32 @p0 s7, s6  }
0xb1: {  	[sflag:s6] =	ssyncadd.remote.s32 @p0 $0x1;
	_ =	sdelay $0x1  }
0xb2: {  	s6 =	simm.s32 @p0 $0x1B8D  }
0xb3: {  	_ =	swait.eq @p0 [sflag:s6], $0x1  }
0xb4: {  	[sflag:s6] =	ssyncadd.s32 @p0 $0xFFFFFFFF  }
0xb5: {  	s7 =	sshll.u32 @!p0 s1, $0xE  }
0xb6: {  	s7 =	sor.u32 @!p0 $0x4000, s7;
	s6 =	simm.s32 @!p0 $0x1B8D  }
0xb7: {  	s5 =	sshll.u32 @!p0 s5, $0x11;
	s7 =	sadd.s32 @!p0 $0x11B8D, s7;
	_ =	swait.eq @!p0 [sflag:s6], $0x1  }
0xb8: {  	s5 =	sor.u32 @!p0 s5, s7;
	[sflag:s6] =	ssyncadd.s32 @!p0 $0xFFFFFFFF  }
0xb9: {  	s25 =	simm.s32 $0x1B8E;
	s24 =	sld [smem:$0x3FFE];
	[sflag:s5] =	ssyncadd.remote.s32 @!p0 $0x1  }
0xba: {  	s26 =	simm.s32 $execute0_lowered;
	[smem:$0x3FD2] =	sst s25  }
0xbb: {  	s6 =	sshll.u32 s26, $0x1;
	_ =	strace $0x80000049;
	[dreg:$0x1] =	wrdreg $0xFFFFFFFF  }
0xbc: {  	s28 =	simm.s32 $_size_execute0_lowered;
	s4 =	sadd.s32 s4, s6;
	[dreg:$0x0] =	wrdreg $0x0  }
0xbd: {  	s6 =	sshll.u32 s28, $0x1;
	[dreg:$0x2] =	wrdreg s4  }
0xbe: {  	[dreg:$0x3] =	wrdreg s6  }
0xbf: {  	[dreg:$0x4] =	wrdreg $0xC0  }
0xc0: {  	_ =	task [dreg:s22], $0x5FFFF  }
0xc1: {  	[dreg:$0x1] =	wrdreg $0xFFFFFFFF  }
0xc2: {  	[dreg:$0x0] =	wrdreg $0x60  }
0xc3: {  	[dreg:$0x2] =	wrdreg s24  }
0xc4: {  	[dreg:$0x3] =	wrdreg s17  }
0xc5: {  	[dreg:$0x4] =	wrdreg $0x9  }
0xc6: {  	_ =	task.clear_ibuf [dreg:s22], $0x5FFFF;
	_ =	strace $0x90000049  }
0xc7: {  	s29 =	simm.s32 $0x9;
	_ =	strace $0x8000004B  }
0xc8: {  	_ =	swait.ge [sflag:s29], $0x1  }
0xc9: {  	[sflag:s29] =	ssyncadd.s32 $0xFFFFFFFF  }
0xca: {  	_ =	strace $0x9000004B  }
0xcb: {  	_ =	sfence  }
0xcc: {  	s30 =	sld [smem:$0x0];
	_ =	sdelay $0x2  }
0xcd: {  	s31 =	sshll.u32 s1, $0xD;
	s1 =	sshrl.u32 s1, $0x2  }
0xce: {  	s4 =	sand.u32 $0x4000, s31;
	s1 =	sadd.s32 s1, s30  }
0xcf: {  	s0 =	sor.u32 s4, s0;
	s1 =	sshll.u32 s1, $0x11  }
0xd0: {  	s0 =	sor.u32 s1, s0  }
0xd1: {  	s0 =	sadd.s32 $0x8F2B, s0  }
0xd2: {  	[sflag:s0] =	ssyncadd.remote.s32 $0x1  }
0xd3: {  	_ =	sfence.sel $0xFFFF  }
0xd4: {  	[dreg:$0x0] =	wrdreg $0xFFFFFFFF;
	(pc) =	sbr.abs _section_cstart, $3  }
0xd5: {  	[dreg:$0x1] =	wrdreg $0xFFFFFFFF  }
0xd6: {  	_ =	task.clear_ibuf [dreg:s22], $0x2FFFF;
	_ =	strace $0x9FFFFFFF  }
0xd7: {  	(tm) =	ssettm $0x7FFFFFFF  }
tec
execute0_lowered:
.L_overlay_start_1:
0x0: {  	(tag) =	ssettag $0x1  }
0x1: {  	s1 =	srdreg.scid;
	s0 =	stileid.u32  }
0x2: {  	s18 =	sand.u32 $0x1, s1;
	s25 =	sshll.u32 s0, $0x1  }
0x3: {  	s12 =	rddreg [dreg:$0x0];
	s13 =	sor.u32 s18, s25  }
0x4: {  	s16 =	rddreg [dreg:$0x1];
	s17 =	smul.u32 $0x620, s13  }
0x5: {  	s2 =	simm.s32 $0x0;
	s1 =	rddreg [dreg:$0x2]  }
0x6: {  	[smem:$0x7FF] =	sst s2;
	s3 =	sshrl.u32 s17, $0x3  }
0x7: {  	_ =	strace $0x8000004A;
	s4 =	sadd.s32 s16, s3;
	s3 =	simm.s32 $0x3  }
0x8: {  	[tilespmem:s2], [sflag:$0x3] =	stream.linear.gather [hbm4b:s4+s2], $0x188, $0x38;
	[tilespmem:$0x18C00] =	vst v63  }
0x9: {  	s6 =	simm.s32 $0x188;
	_ =	swait.ge [sflag:s3], $0x188  }
0xa: {  	s7 =	simm.s32 $0x400;
	s15 =	sadd.s32 $0x188, s17;
	[sflag:s3] =	ssyncset.done $0x0  }
0xb: {  	s5 =	sadd.s32 $0x2C00, s12;
	s8 =	sshrl.u32 s15, $0x3;
	[sflag:s3] =	ssyncadd.s32 $0xFFFFFE78  }
0xc: {  	[tilespmem:s7], [sflag:$0x1] =	stream.indirect.gather [hbm4b:s5+s6], $0x80, s2, s6, $0xb8;
	[tilespmem:$0x18C00] =	vst v63  }
0xd: {  	s9 =	simm.s32 $0x200;
	s8 =	sadd.s32 s16, s8  }
0xe: {  	[tilespmem:s9], [sflag:$0x3] =	stream.linear.gather [hbm4b:s8+s2], $0x188, $0x38;
	[tilespmem:$0x18C00] =	vst v63  }
0xf: {  	_ =	swait.ge [sflag:s3], $0x188  }
0x10: {  	[sflag:s3] =	ssyncset.done $0x0  }
0x11: {  	s10 =	simm.s32 $0xC800;
	s11 =	simm.s32 $0x1;
	[sflag:s3] =	ssyncadd.s32 $0xFFFFFE78  }
0x12: {  	[tilespmem:s10], [sflag:$0x2] =	stream.indirect.gather [hbm4b:s5+s6], $0x80, s9, s6, $0xb8;
	[tilespmem:$0x18C00] =	vst v63  }
0x13: {  	s13 =	smul.u32 $0x6200, s13;
	_ =	swait.ge [sflag:s11], $0xC400  }
0x14: {  	s19 =	sadd.s32 $0x311600, s12;
	[sflag:s11] =	ssyncset.done $0x0  }
0x15: {  	s12 =	sadd.s32 s19, s13;
	[sflag:s11] =	ssyncadd.s32 $0xFFFF3C00  }
0x16: {  	[hbm4b:s12+s2] =	stream.linear.scatter [tilespmem:s7], [sflag:$0x3], $0xC400, $0x38;
	[tilespmem:$0x18C00] =	vst v63  }
0x17: {  	s20 =	sadd.s32 $0x310, s17;
	_ =	swait.ge [sflag:s3], $0xC400  }
0x18: {  	s26 =	sshrl.u32 s20, $0x3;
	[sflag:s3] =	ssyncset.done $0x0  }
0x19: {  	s13 =	sadd.s32 s16, s26;
	[sflag:s3] =	ssyncadd.s32 $0xFFFF3C00  }
0x1a: {  	[tilespmem:s2], [sflag:$0x3] =	stream.linear.gather [hbm4b:s13+s2], $0x188, $0x38;
	[tilespmem:$0x18C00] =	vst v63  }
0x1b: {  	_ =	swait.ge [sflag:s3], $0x188  }
0x1c: {  	[sflag:s3] =	ssyncset.done $0x0  }
0x1d: {  	s14 =	simm.s32 $0x2;
	[sflag:s3] =	ssyncadd.s32 $0xFFFFFE78  }
0x1e: {  	[tilespmem:s7], [sflag:$0x1] =	stream.indirect.gather [hbm4b:s5+s6], $0x80, s2, s6, $0xb8;
	[tilespmem:$0x18C00] =	vst v63  }
0x1f: {  	_ =	swait.ge [sflag:s14], $0xC400  }
0x20: {  	s15 =	sshll.u32 s15, $0x4;
	[sflag:s14] =	ssyncset.done $0x0  }
0x21: {  	s15 =	sadd.s32 s19, s15;
	[sflag:s14] =	ssyncadd.s32 $0xFFFF3C00  }
0x22: {  	[hbm4b:s15+s2] =	stream.linear.scatter [tilespmem:s10], [sflag:$0x3], $0xC400, $0x38;
	[tilespmem:$0x18C00] =	vst v63  }
0x23: {  	s21 =	sadd.s32 $0x498, s17;
	_ =	swait.ge [sflag:s3], $0xC400  }
0x24: {  	s17 =	sshrl.u32 s21, $0x3;
	[sflag:s3] =	ssyncset.done $0x0  }
0x25: {  	s16 =	sadd.s32 s16, s17;
	[sflag:s3] =	ssyncadd.s32 $0xFFFF3C00  }
0x26: {  	[tilespmem:s9], [sflag:$0x3] =	stream.linear.gather [hbm4b:s16+s2], $0x188, $0x38;
	[tilespmem:$0x18C00] =	vst v63  }
0x27: {  	_ =	swait.ge [sflag:s3], $0x188  }
0x28: {  	[sflag:s3] =	ssyncset.done $0x0  }
0x29: {  	[sflag:s3] =	ssyncadd.s32 $0xFFFFFE78  }
0x2a: {  	[tilespmem:s10], [sflag:$0x2] =	stream.indirect.gather [hbm4b:s5+s6], $0x80, s9, s6, $0xb8;
	[tilespmem:$0x18C00] =	vst v63  }
0x2b: {  	_ =	swait.ge [sflag:s11], $0xC400  }
0x2c: {  	s28 =	sshll.u32 s20, $0x4;
	[sflag:s11] =	ssyncset.done $0x0  }
0x2d: {  	s18 =	ssub.s32 $0x2, s18;
	s17 =	sadd.s32 s19, s28;
	[sflag:s11] =	ssyncadd.s32 $0xFFFF3C00  }
0x2e: {  	[hbm4b:s17+s2] =	stream.linear.scatter [tilespmem:s7], [sflag:$0x3], $0xC400, $0x38;
	[tilespmem:$0x18C00] =	vst v63  }
0x2f: {  	s29 =	sshrl.u32 s18, $0x1;
	_ =	swait.ge [sflag:s3], $0xC400  }
0x30: {  	s20 =	ssub.s32 s18, s29;
	[sflag:s3] =	ssyncset.done $0x0  }
0x31: {  	s31 =	smax.u32 s20, $0x1;
	[sflag:s3] =	ssyncadd.s32 $0xFFFF3C00  }
0x32: {  	p0 =	sne.s32 s31, $0x1;
	_ =	swait.ge [sflag:s14], $0xC400  }
.Ltmp0:
0x33: {  	s30 =	sshll.u32 s21, $0x4;
	[sflag:s14] =	ssyncset.done $0x0;
	(pc) =	sbr.rel @!p0 .LBB2_2-.Ltmp0, $4  }
0x34: {  	s18 =	sadd.s32 s19, s30;
	[sflag:s14] =	ssyncadd.s32 $0xFFFF3C00  }
0x35: {  	[hbm4b:s18+s2] =	stream.linear.scatter [tilespmem:s10], [sflag:$0x3], $0xC400, $0x38;
	[tilespmem:$0x18C00] =	vst v63  }
0x36: {  	_ =	swait.ge [sflag:s3], $0xC400  }
0x37: {  	s19 =	sadd.s32 $0xFFFFFFFF, s31;
	[sflag:s3] =	ssyncset.done $0x0  }
.LBB2_1:
0x38: {  	p0 =	sne.s32 s19, $0x1;
	s19 =	sadd.s32 $0xFFFFFFFF, s19;
	[sflag:s3] =	ssyncadd.s32 $0xFFFF3C00  }
0x39: {  	[tilespmem:s2], [sflag:$0x3] =	stream.linear.gather [hbm4b:s4+s2], $0x188, $0x38;
	[tilespmem:$0x18C00] =	vst v63  }
0x3a: {  	_ =	swait.ge [sflag:s3], $0x188  }
0x3b: {  	[sflag:s3] =	ssyncset.done $0x0  }
0x3c: {  	[sflag:s3] =	ssyncadd.s32 $0xFFFFFE78  }
0x3d: {  	[tilespmem:s7], [sflag:$0x1] =	stream.indirect.gather [hbm4b:s5+s6], $0x80, s2, s6, $0xb8;
	[tilespmem:$0x18C00] =	vst v63  }
0x3e: {  	_ = 	snop  }
0x3f: {  	[tilespmem:s9], [sflag:$0x3] =	stream.linear.gather [hbm4b:s8+s2], $0x188, $0x38;
	[tilespmem:$0x18C00] =	vst v63  }
0x40: {  	_ =	swait.ge [sflag:s3], $0x188  }
0x41: {  	[sflag:s3] =	ssyncset.done $0x0  }
0x42: {  	[sflag:s3] =	ssyncadd.s32 $0xFFFFFE78  }
0x43: {  	[tilespmem:s10], [sflag:$0x2] =	stream.indirect.gather [hbm4b:s5+s6], $0x80, s9, s6, $0xb8;
	[tilespmem:$0x18C00] =	vst v63  }
0x44: {  	_ =	swait.ge [sflag:s11], $0xC400  }
0x45: {  	[sflag:s11] =	ssyncset.done $0x0  }
0x46: {  	[sflag:s11] =	ssyncadd.s32 $0xFFFF3C00  }
0x47: {  	[hbm4b:s12+s2] =	stream.linear.scatter [tilespmem:s7], [sflag:$0x3], $0xC400, $0x38;
	[tilespmem:$0x18C00] =	vst v63  }
0x48: {  	_ =	swait.ge [sflag:s3], $0xC400  }
0x49: {  	[sflag:s3] =	ssyncset.done $0x0  }
0x4a: {  	[sflag:s3] =	ssyncadd.s32 $0xFFFF3C00  }
0x4b: {  	[tilespmem:s2], [sflag:$0x3] =	stream.linear.gather [hbm4b:s13+s2], $0x188, $0x38;
	[tilespmem:$0x18C00] =	vst v63  }
0x4c: {  	_ =	swait.ge [sflag:s3], $0x188  }
0x4d: {  	[sflag:s3] =	ssyncset.done $0x0  }
0x4e: {  	[sflag:s3] =	ssyncadd.s32 $0xFFFFFE78  }
0x4f: {  	[tilespmem:s7], [sflag:$0x1] =	stream.indirect.gather [hbm4b:s5+s6], $0x80, s2, s6, $0xb8;
	[tilespmem:$0x18C00] =	vst v63  }
0x50: {  	_ =	swait.ge [sflag:s14], $0xC400  }
0x51: {  	[sflag:s14] =	ssyncset.done $0x0  }
0x52: {  	[sflag:s14] =	ssyncadd.s32 $0xFFFF3C00  }
0x53: {  	[hbm4b:s15+s2] =	stream.linear.scatter [tilespmem:s10], [sflag:$0x3], $0xC400, $0x38;
	[tilespmem:$0x18C00] =	vst v63  }
0x54: {  	_ =	swait.ge [sflag:s3], $0xC400  }
0x55: {  	[sflag:s3] =	ssyncset.done $0x0  }
0x56: {  	[sflag:s3] =	ssyncadd.s32 $0xFFFF3C00  }
0x57: {  	[tilespmem:s9], [sflag:$0x3] =	stream.linear.gather [hbm4b:s16+s2], $0x188, $0x38;
	[tilespmem:$0x18C00] =	vst v63  }
0x58: {  	_ =	swait.ge [sflag:s3], $0x188  }
0x59: {  	[sflag:s3] =	ssyncset.done $0x0  }
0x5a: {  	[sflag:s3] =	ssyncadd.s32 $0xFFFFFE78  }
0x5b: {  	[tilespmem:s10], [sflag:$0x2] =	stream.indirect.gather [hbm4b:s5+s6], $0x80, s9, s6, $0xb8;
	[tilespmem:$0x18C00] =	vst v63  }
0x5c: {  	_ =	swait.ge [sflag:s11], $0xC400  }
0x5d: {  	[sflag:s11] =	ssyncset.done $0x0  }
0x5e: {  	[sflag:s11] =	ssyncadd.s32 $0xFFFF3C00  }
0x5f: {  	[hbm4b:s17+s2] =	stream.linear.scatter [tilespmem:s7], [sflag:$0x3], $0xC400, $0x38;
	[tilespmem:$0x18C00] =	vst v63  }
0x60: {  	_ =	swait.ge [sflag:s3], $0xC400  }
0x61: {  	[sflag:s3] =	ssyncset.done $0x0  }
0x62: {  	[sflag:s3] =	ssyncadd.s32 $0xFFFF3C00  }
0x63: {  	_ =	swait.ge [sflag:s14], $0xC400  }
.Ltmp1:
0x64: {  	[sflag:s14] =	ssyncset.done $0x0;
	(pc) =	sbr.rel @p0 .LBB2_1-.Ltmp1, $4  }
0x65: {  	[sflag:s14] =	ssyncadd.s32 $0xFFFF3C00  }
0x66: {  	[hbm4b:s18+s2] =	stream.linear.scatter [tilespmem:s10], [sflag:$0x3], $0xC400, $0x38;
	[tilespmem:$0x18C00] =	vst v63  }
0x67: {  	_ =	swait.ge [sflag:s3], $0xC400  }
0x68: {  	[sflag:s3] =	ssyncset.done $0x0  }
.LBB2_2:
0x69: {  	[sflag:s3] =	ssyncadd.s32 $0xFFFF3C00  }
0x6a: {  	_ =	sfence.sel $0x180000  }
0x6b: {  	[bflag:$0x0] =	sbarrier.arrive $0xFFFF  }
0x6c: {  	p0 =	sne.s32 s0, $0x0;
	_ =	strace $0x9000004A  }
0x6d: {  	s0 =	sadd.s32 @!p0 $0x100000, s1;
	[bflag:$0x2] =	sbarrier.arrive $0xFFFF  }
0x6e: {  	[sflag:s0] =	ssyncadd.tile.s32 @!p0 $0x1;
	_ =	shalt  }
.Lfunc_end2:
_tile_overlayer_lowered:
.L_overlay_start_2:
0x6f: {  	(tag) =	ssettag $0x2  }
0x70: {  	s0 =	rddreg [dreg:$0x0];
	s2 =	stileid.u32  }
0x71: {  	s1 =	rddreg [dreg:$0x1];
	p0 =	sne.s32 s2, $0x0  }
0x72: {  	s3 =	rddreg [dreg:$0x2];
	[bflag:$0x3] =	sbarrier.arrive $0xFFFF;
	s2 =	simm.s32 @!p0 $0x1C03  }
0x73: {  	[timem:s3], [sflag:s2] =	dma.local @!p0 [hbm:s0], s1  }
0x74: {  	s0 =	simm.s32 @!p0 $0x3  }
0x75: {  	_ =	swait.ge @!p0 [sflag:s0], s1  }
0x76: {  	s1 =	ssub.s32 @!p0 $0x0, s1;
	[sflag:s0] =	ssyncset.done @!p0 $0x0  }
0x77: {  	[sflag:s0] =	ssyncadd.s32 @!p0 s1  }
0x78: {  	[bflag:$0x3] =	sbarrier.arrive $0xFFFF  }
0x79: {  	_ =	shalt  }

</sc_bundles>
